<compile_context>
chip_gen: v7x
topology: tpu7x:2x2x1
jax: 0.10.2.dev20260603
libtpu: 0.0.44.dev20260713+nightly
codegen_flags: <defaults>
</compile_context>

<pallas_src>
import functools

import jax
import jax.numpy as jnp
from jax import lax
from jax.experimental import pallas as pl
from jax.experimental.pallas import tpu as pltpu
from jax.experimental.pallas import tpu_sc as plsc

_NEG_INF = float("-inf")


def _select_kernel(qi_ref, wq_ref, bq_ref, keys_ref, iw_ref, idx_out_ref,
                   qn_ref, rv_ref, ri_ref, *, C, K, nchunks):
    c = pl.program_id(1)
    B = qi_ref.shape[0]

    @pl.when(c == 0)
    def _init():
        q = jnp.dot(qi_ref[:], wq_ref[:].T,
                    preferred_element_type=jnp.float32) + bq_ref[:]
        nrm = jnp.sqrt(jnp.sum(q * q, axis=1, keepdims=True))
        qn_ref[:] = q / jnp.maximum(nrm, 1e-12)
        rv_ref[:] = jnp.full((B, K), _NEG_INF, jnp.float32)
        ri_ref[:] = jnp.zeros((B, K), jnp.int32)

    kb = keys_ref[:]
    knrm = jnp.sqrt(jnp.sum(kb * kb, axis=1, keepdims=True))
    kn = kb / jnp.maximum(knrm, 1e-12)
    scores = jnp.dot(qn_ref[:], kn.T,
                     preferred_element_type=jnp.float32) * iw_ref[0]

    iota = lax.broadcasted_iota(jnp.int32, (B, C), 1)
    base = c * C
    cols_v = [rv_ref[:, j:j + 1] for j in range(K)]
    cols_i = [ri_ref[:, j:j + 1] for j in range(K)]
    s = scores
    for _ in range(K):
        loc = jnp.argmax(s, axis=1, keepdims=True)
        m = jnp.max(s, axis=1, keepdims=True)
        onehot = iota == loc
        cols_v.append(m)
        cols_i.append(loc.astype(jnp.int32) + base)
        s = jnp.where(onehot, _NEG_INF, s)

    big_i = jnp.int32(2 ** 30)
    vcur = list(cols_v)
    new_v, new_i = [], []
    for _ in range(K):
        m = functools.reduce(jnp.maximum, vcur)
        pick = functools.reduce(
            jnp.minimum,
            [jnp.where(v == m, i, big_i) for v, i in zip(vcur, cols_i)])
        sels = [(v == m) & (i == pick) for v, i in zip(vcur, cols_i)]
        new_v.append(m)
        new_i.append(pick)
        vcur = [jnp.where(sel, _NEG_INF, v) for sel, v in zip(sels, vcur)]

    rv_ref[:] = jnp.concatenate(new_v, axis=1)
    ri_ref[:] = jnp.concatenate(new_i, axis=1)

    @pl.when(c == nchunks - 1)
    def _emit():
        idx_out_ref[:] = jnp.concatenate(new_i, axis=1)


def _sc_gather_body(table_hbm, idx_hbm, out_hbm, idx_v, rows_v, sem,
                    *, NC, b_per_w):
    wid = lax.axis_index("s") * NC + lax.axis_index("c")
    base = wid * b_per_w
    pltpu.sync_copy(idx_hbm.at[pl.ds(base, b_per_w)], idx_v)
    pltpu.async_copy(table_hbm.at[idx_v], rows_v, sem).wait()
    pltpu.sync_copy(rows_v, out_hbm.at[pl.ds(base, b_per_w)])


def _attn_kernel(rv_ref, wa_ref, ba_ref, wc_ref, bc_ref, out_ref, *, K, D):
    wa = wa_ref[:]
    ba0 = ba_ref[0, 0]
    rows = [rv_ref[:, j * D:(j + 1) * D] for j in range(K)]
    logits = [jnp.sum(r * wa, axis=1, keepdims=True) + ba0 for r in rows]
    mx = functools.reduce(jnp.maximum, logits)
    es = [jnp.exp(l - mx) for l in logits]
    tot = functools.reduce(jnp.add, es)
    mem = functools.reduce(
        jnp.add, [e * r for e, r in zip(es, rows)]) / tot
    out_ref[:] = jnp.dot(mem, wc_ref[:].T,
                         preferred_element_type=jnp.float32) + bc_ref[:]


def kernel(query_input, memory_keys, memory_values, importance_weights,
           Wq, bq, Wa, ba, Wc, bc, top_k):
    B, CS = query_input.shape
    M, D = memory_keys.shape
    K = 8
    C = next(c for c in range(min(M, 2048), 0, -8) if M % c == 0)
    nchunks = M // C
    BB = next(b for b in (256, 128, 64, 32, 16, 8, B) if B % b == 0)
    nb = B // BB

    iw2 = importance_weights.reshape(nchunks, 1, C)
    bq2 = bq.reshape(1, D)
    ba2 = ba.reshape(1, 1)
    bc2 = bc.reshape(1, D)

    top_idx = pl.pallas_call(
        functools.partial(_select_kernel, C=C, K=K, nchunks=nchunks),
        grid=(nb, nchunks),
        in_specs=[
            pl.BlockSpec((BB, CS), lambda b, c: (b, 0)),
            pl.BlockSpec((D, CS), lambda b, c: (0, 0)),
            pl.BlockSpec((1, D), lambda b, c: (0, 0)),
            pl.BlockSpec((C, D), lambda b, c: (c, 0)),
            pl.BlockSpec((1, 1, C), lambda b, c: (c, 0, 0)),
        ],
        out_specs=pl.BlockSpec((BB, K), lambda b, c: (b, 0)),
        out_shape=jax.ShapeDtypeStruct((B, K), jnp.int32),
        scratch_shapes=[
            pltpu.VMEM((BB, D), jnp.float32),
            pltpu.VMEM((BB, K), jnp.float32),
            pltpu.VMEM((BB, K), jnp.int32),
        ],
        compiler_params=pltpu.CompilerParams(
            dimension_semantics=("arbitrary", "arbitrary"),
        ),
    )(query_input, Wq, bq2, memory_keys, iw2)

    info = plsc.get_sparse_core_info()
    NC, NS = info.num_cores, info.num_subcores
    NW = NC * NS
    b_per_w = (B * K) // NW
    flat_idx = top_idx.reshape(B * K)
    mesh = plsc.VectorSubcoreMesh(core_axis_name="c", subcore_axis_name="s")
    gathered = pl.kernel(
        functools.partial(_sc_gather_body, NC=NC, b_per_w=b_per_w),
        mesh=mesh,
        out_type=jax.ShapeDtypeStruct((B * K, D), jnp.float32),
        scratch_types=[
            pltpu.VMEM((b_per_w,), jnp.int32),
            pltpu.VMEM((b_per_w, D), jnp.float32),
            pltpu.SemaphoreType.DMA,
        ],
        compiler_params=pltpu.CompilerParams(use_tc_tiling_on_sc=False),
    )(memory_values, flat_idx)

    rv = gathered.reshape(B, K * D)
    return pl.pallas_call(
        functools.partial(_attn_kernel, K=K, D=D),
        out_shape=jax.ShapeDtypeStruct((B, D), jnp.float32),
    )(rv, Wa, ba2, Wc, bc2)

# --- scband reference (transcript-rebuilt; emitter-appended) ---
"""Pipeline reference for scband-memory-interface-14955076125124 (READ-ONLY COPY).

The authoritative reference and input builder live on the scoring server;
editing this copy changes nothing except your own understanding.
"""

import jax, jax.numpy as jnp
import numpy as np

BATCH = 1024
CONTROLLER_SIZE = 128
MEMORY_DIM = 32
BANK_SIZE = 100000
TOP_K = 8


def _l2_normalize(x, eps=1e-12):
    # matches F.normalize(x, p=2, dim=-1)
    norm = jnp.linalg.norm(x, axis=-1, keepdims=True)
    return x / jnp.maximum(norm, eps)


def setup_inputs(seed: int = 0) -> dict:
    key = jax.random.key(seed)
    ks = jax.random.split(key, 8)
    query_input = jax.random.normal(ks[0], (BATCH, CONTROLLER_SIZE), dtype=jnp.float32)
    memory_keys = jax.random.normal(ks[1], (BANK_SIZE, MEMORY_DIM), dtype=jnp.float32)
    memory_values = jax.random.normal(ks[2], (BANK_SIZE, MEMORY_DIM), dtype=jnp.float32)
    importance_weights = jax.random.uniform(ks[3], (BANK_SIZE,), dtype=jnp.float32)
    # learned params (nn.Linear: y = x @ W.T + b)
    Wq = jax.random.normal(ks[4], (MEMORY_DIM, CONTROLLER_SIZE), dtype=jnp.float32) * 0.05
    bq = jnp.zeros((MEMORY_DIM,), dtype=jnp.float32)
    Wa = jax.random.normal(ks[5], (1, MEMORY_DIM), dtype=jnp.float32) * 0.05
    ba = jnp.zeros((1,), dtype=jnp.float32)
    Wc = jax.random.normal(ks[6], (MEMORY_DIM, MEMORY_DIM), dtype=jnp.float32) * 0.05
    bc = jnp.zeros((MEMORY_DIM,), dtype=jnp.float32)
    return {
        "query_input": query_input,
        "memory_keys": memory_keys,
        "memory_values": memory_values,
        "importance_weights": importance_weights,
        "Wq": Wq, "bq": bq,
        "Wa": Wa, "ba": ba,
        "Wc": Wc, "bc": bc,
        "top_k": TOP_K,
    }


def reference(query_input, memory_keys, memory_values, importance_weights,
              Wq, bq, Wa, ba, Wc, bc, top_k):
    # query_layer
    query = query_input @ Wq.T + bq                      # [B, D]
    # cosine similarity between normalized query and normalized bank keys
    q_norm = _l2_normalize(query)                        # [B, D]
    k_norm = _l2_normalize(memory_keys)                  # [M, D]
    sims = q_norm @ k_norm.T                             # [B, M]
    weighted = sims * importance_weights[None, :]        # [B, M]
    weighted = weighted + jnp.zeros((), dtype=weighted.dtype) * jnp.asarray(top_k, dtype=weighted.dtype)
    # top-k retrieval over the memory bank
    _, top_idx = jax.lax.top_k(weighted, TOP_K)          # [B, K]
    retrieved = jnp.take(memory_values, top_idx, axis=0) # [B, K, D] gather
    # attention over retrieved memories
    att_logits = (retrieved @ Wa.T + ba).squeeze(-1)     # [B, K]
    att = jax.nn.softmax(att_logits, axis=-1)            # [B, K]
    memory_output = jnp.sum(att[..., None] * retrieved, axis=1)  # [B, D]
    memory_output = memory_output @ Wc.T + bc            # combine_layer
    return memory_output

if __name__ == "__main__":
    import jax
    _d = setup_inputs()
    print(jax.jit(kernel)(*tuple(_d.values())))

</pallas_src>

<mosaic_0001>
#map = affine_map<(d0, d1) -> (0, 0)>
#map1 = affine_map<(d0, d1) -> (0)>
module attributes {stable_mosaic.version = 14 : i64} {
  func.func @_sc_gather_body(%arg0: i32, %arg1: i32, %arg2: memref<100000x32xf32, #tpu.memory_space<hbm>>, %arg3: memref<8192xi32, #tpu.memory_space<hbm>>, %arg4: memref<8192x32xf32, #tpu.memory_space<hbm>>, %arg5: memref<256xi32, #tpu.memory_space<vmem>>, %arg6: memref<256x32xf32, #tpu.memory_space<vmem>>, %arg7: memref<!tpu.dma_semaphore, #tpu.memory_space<semaphore_mem>>) attributes {dimension_semantics = [#tpu.dimension_semantics<core_parallel>, #tpu.dimension_semantics<subcore_parallel>], iteration_bounds = array<i64: 2, 16>, scalar_prefetch = 0 : i64, scratch_operands = 3 : i64, tpu.core_type = #tpu.core_type<sc_vector_subcore>, window_params = [{transform_indices = #map}, {transform_indices = #map1}, {transform_indices = #map}]} {
    %mul3A = arith.constant 2 : i32
    %mul3A_0 = arith.muli %arg1, %mul3A : i32
    %add3A = arith.addi %mul3A_0, %arg0 : i32
    %mul3A_1 = arith.constant 256 : i32
    %mul3A_2 = arith.muli %add3A, %mul3A_1 : i32
    "tpu.region"() ({
      %run_scoped3A = tpu.sem_alloc : memref<!tpu.dma_semaphore, #tpu.memory_space<semaphore_mem>>
      %dma_start3A_7 = tpu.memref_slice %arg3[%mul3A_2] : memref<8192xi32, #tpu.memory_space<hbm>> -> memref<256xi32, #tpu.memory_space<hbm>>
      %dma_start3A_8 = tpu.memref_slice %arg3[%mul3A_2] : memref<8192xi32, #tpu.memory_space<hbm>> -> memref<256xi32, #tpu.memory_space<hbm>>
      tpu.enqueue_dma source(%dma_start3A_8 : memref<256xi32, #tpu.memory_space<hbm>>) target(%arg5 : memref<256xi32, #tpu.memory_space<vmem>>) target_semaphore(%run_scoped3A : memref<!tpu.dma_semaphore, #tpu.memory_space<semaphore_mem>>)
      %dma_wait3A_9 = tpu.memref_slice %arg3[%mul3A_2] : memref<8192xi32, #tpu.memory_space<hbm>> -> memref<256xi32, #tpu.memory_space<hbm>>
      %dma_wait3A_10 = tpu.memref_slice %arg3[%mul3A_2] : memref<8192xi32, #tpu.memory_space<hbm>> -> memref<256xi32, #tpu.memory_space<hbm>>
      tpu.wait_dma2 semaphore(%run_scoped3A : memref<!tpu.dma_semaphore, #tpu.memory_space<semaphore_mem>>) src(%dma_wait3A_10 : memref<256xi32, #tpu.memory_space<hbm>>) dst(%arg5 : memref<256xi32, #tpu.memory_space<vmem>>)
      tpu.yield
    }) : () -> ()
    %dma_start3A = arith.constant 0 : i32
    %dma_start3A_3 = arith.constant 0 : i32
    %dma_start3A_4 = tpu.memref_slice %arg2[%dma_start3A, %dma_start3A_3] : memref<100000x32xf32, #tpu.memory_space<hbm>> -> memref<100000x32xf32, #tpu.memory_space<hbm>>
    tpu.enqueue_indirect_dma source(%dma_start3A_4 : memref<100000x32xf32, #tpu.memory_space<hbm>>) target(%arg6 : memref<256x32xf32, #tpu.memory_space<vmem>>) offsets(%arg5 : memref<256xi32, #tpu.memory_space<vmem>>) semaphore(%arg7 : memref<!tpu.dma_semaphore, #tpu.memory_space<semaphore_mem>>)
    %dma_wait3A = arith.constant 0 : i32
    %dma_wait3A_5 = arith.constant 0 : i32
    %dma_wait3A_6 = tpu.memref_slice %arg2[%dma_wait3A, %dma_wait3A_5] : memref<100000x32xf32, #tpu.memory_space<hbm>> -> memref<100000x32xf32, #tpu.memory_space<hbm>>
    tpu.wait_indirect_dma semaphore(%arg7 : memref<!tpu.dma_semaphore, #tpu.memory_space<semaphore_mem>>) src(%dma_wait3A_6 : memref<100000x32xf32, #tpu.memory_space<hbm>>) dst(%arg6 : memref<256x32xf32, #tpu.memory_space<vmem>>)
    "tpu.region"() ({
      %run_scoped3A = tpu.sem_alloc : memref<!tpu.dma_semaphore, #tpu.memory_space<semaphore_mem>>
      %dma_start3A_7 = arith.constant 0 : i32
      %dma_start3A_8 = tpu.memref_slice %arg4[%mul3A_2, %dma_start3A_7] : memref<8192x32xf32, #tpu.memory_space<hbm>> -> memref<256x32xf32, #tpu.memory_space<hbm>>
      %dma_start3A_9 = arith.constant 0 : i32
      %dma_start3A_10 = tpu.memref_slice %arg4[%mul3A_2, %dma_start3A_9] : memref<8192x32xf32, #tpu.memory_space<hbm>> -> memref<256x32xf32, #tpu.memory_space<hbm>>
      tpu.enqueue_dma source(%arg6 : memref<256x32xf32, #tpu.memory_space<vmem>>) target(%dma_start3A_10 : memref<256x32xf32, #tpu.memory_space<hbm>>) target_semaphore(%run_scoped3A : memref<!tpu.dma_semaphore, #tpu.memory_space<semaphore_mem>>)
      %dma_wait3A_11 = arith.constant 0 : i32
      %dma_wait3A_12 = tpu.memref_slice %arg4[%mul3A_2, %dma_wait3A_11] : memref<8192x32xf32, #tpu.memory_space<hbm>> -> memref<256x32xf32, #tpu.memory_space<hbm>>
      %dma_wait3A_13 = arith.constant 0 : i32
      %dma_wait3A_14 = tpu.memref_slice %arg4[%mul3A_2, %dma_wait3A_13] : memref<8192x32xf32, #tpu.memory_space<hbm>> -> memref<256x32xf32, #tpu.memory_space<hbm>>
      tpu.wait_dma2 semaphore(%run_scoped3A : memref<!tpu.dma_semaphore, #tpu.memory_space<semaphore_mem>>) src(%arg6 : memref<256x32xf32, #tpu.memory_space<vmem>>) dst(%dma_wait3A_14 : memref<256x32xf32, #tpu.memory_space<hbm>>)
      tpu.yield
    }) : () -> ()
    return
  }
}

module attributes {stable_mosaic.version = 14 : i64} {
  func.func @_select_kernel(%arg0: i32, %arg1: i32, %arg2: memref<256x128xf32, #tpu.memory_space<vmem>>, %arg3: memref<32x128xf32, #tpu.memory_space<vmem>>, %arg4: memref<1x32xf32, #tpu.memory_space<vmem>>, %arg5: memref<2000x32xf32, #tpu.memory_space<vmem>>, %arg6: memref<1x1x2000xf32, #tpu.memory_space<vmem>>, %arg7: memref<256x8xi32, #tpu.memory_space<vmem>>, %arg8: memref<256x32xf32, #tpu.memory_space<vmem>>, %arg9: memref<256x8xf32, #tpu.memory_space<vmem>>, %arg10: memref<256x8xi32, #tpu.memory_space<vmem>>) attributes {dimension_semantics = [#tpu.dimension_semantics<arbitrary>, #tpu.dimension_semantics<arbitrary>], iteration_bounds = array<i64: 4, 50>, scalar_prefetch = 0 : i64, scratch_operands = 3 : i64, tpu.core_type = #tpu.core_type<tc>, window_params = [{transform_indices = @transform_0, window_bounds = array<i64: 256, 128>}, {pipeline_mode = #tpu.pipeline_mode<synchronous>, transform_indices = @transform_1, window_bounds = array<i64: 32, 128>}, {pipeline_mode = #tpu.pipeline_mode<synchronous>, transform_indices = @transform_2, window_bounds = array<i64: 1, 32>}, {transform_indices = @transform_3, window_bounds = array<i64: 2000, 32>}, {transform_indices = @transform_4, window_bounds = array<i64: 1, 1, 2000>}, {transform_indices = @transform_5, window_bounds = array<i64: 256, 8>}]} {
    %eq3A = arith.constant 0 : i32
    %eq3A_0 = arith.cmpi eq, %arg1, %eq3A : i32
    %convert_element_type3A = arith.extui %eq3A_0 : i1 to i32
    %cond3A = arith.constant 0 : i32
    %cond3A_1 = arith.cmpi ne, %convert_element_type3A, %cond3A : i32
    scf.if %cond3A_1 {
      %get3A_1588 = arith.constant 0 : index
      %get3A_1589 = arith.constant 0 : index
      %get3A_1590 = vector.load %arg2[%get3A_1588, %get3A_1589] : memref<256x128xf32, #tpu.memory_space<vmem>>, vector<256x128xf32>
      %get3A_1591 = arith.constant 0 : index
      %get3A_1592 = arith.constant 0 : index
      %get3A_1593 = vector.load %arg3[%get3A_1591, %get3A_1592] : memref<32x128xf32, #tpu.memory_space<vmem>>, vector<32x128xf32>
      %transpose3A_1594 = tpu.transpose %get3A_1593, [1, 0] : vector<32x128xf32> -> vector<128x32xf32>
      %dot_general3A_1595 = arith.constant dense<0.000000e+00> : vector<256x32xf32>
      %dot_general3A_1596 = tpu.matmul %get3A_1590, %transpose3A_1594, %dot_general3A_1595 {dimension_numbers = #tpu.dot_dimension_numbers<[1], [0], [0], [1], [0, 0, 1, 1], [], []>, transpose_lhs_hint = false} : vector<256x128xf32>, vector<128x32xf32>, vector<256x32xf32> -> vector<256x32xf32>
      %get3A_1597 = arith.constant 0 : index
      %get3A_1598 = arith.constant 0 : index
      %get3A_1599 = vector.load %arg4[%get3A_1597, %get3A_1598] : memref<1x32xf32, #tpu.memory_space<vmem>>, vector<1x32xf32>
      %add3A_1600 = vector.broadcast %get3A_1599 : vector<1x32xf32> to vector<256x32xf32>
      %add3A_1601 = arith.addf %dot_general3A_1596, %add3A_1600 : vector<256x32xf32>
      %mul3A_1602 = arith.mulf %add3A_1601, %add3A_1601 : vector<256x32xf32>
      %reduce_sum3A_1603 = arith.constant dense<0.000000e+00> : vector<256xf32>
      %reduce_sum3A_1604 = vector.multi_reduction <add>, %mul3A_1602, %reduce_sum3A_1603 [1] : vector<256x32xf32> to vector<256xf32>
      %broadcast_in_dim3A_1605 = vector.shape_cast %reduce_sum3A_1604 : vector<256xf32> to vector<256x1xf32>
      %sqrt3A_1606 = math.sqrt %broadcast_in_dim3A_1605 : vector<256x1xf32>
      %max3A_1607 = arith.constant 9.99999996E-13 : f32
      %max3A_1608 = vector.broadcast %max3A_1607 : f32 to vector<256x1xf32>
      %max3A_1609 = arith.maximumf %sqrt3A_1606, %max3A_1608 : vector<256x1xf32>
      %div3A_1610 = vector.broadcast %max3A_1609 : vector<256x1xf32> to vector<256x32xf32>
      %div3A_1611 = arith.divf %add3A_1601, %div3A_1610 : vector<256x32xf32>
      %swap3A_1612 = arith.constant 0 : index
      %swap3A_1613 = arith.constant 0 : index
      %swap3A_1614 = vector.load %arg8[%swap3A_1612, %swap3A_1613] : memref<256x32xf32, #tpu.memory_space<vmem>>, vector<256x32xf32>
      tpu.vector_store %arg8[%swap3A_1612, %swap3A_1613], %div3A_1611 {strides = array<i32>} : memref<256x32xf32, #tpu.memory_space<vmem>>, vector<256x32xf32>,
      %broadcast_in_dim3A_1615 = arith.constant 0xFF800000 : f32
      %broadcast_in_dim3A_1616 = vector.broadcast %broadcast_in_dim3A_1615 : f32 to vector<256x8xf32>
      %swap3A_1617 = arith.constant 0 : index
      %swap3A_1618 = arith.constant 0 : index
      %swap3A_1619 = vector.load %arg9[%swap3A_1617, %swap3A_1618] : memref<256x8xf32, #tpu.memory_space<vmem>>, vector<256x8xf32>
      tpu.vector_store %arg9[%swap3A_1617, %swap3A_1618], %broadcast_in_dim3A_1616 {strides = array<i32>} : memref<256x8xf32, #tpu.memory_space<vmem>>, vector<256x8xf32>,
      %broadcast_in_dim3A_1620 = arith.constant 0 : i32
      %broadcast_in_dim3A_1621 = vector.broadcast %broadcast_in_dim3A_1620 : i32 to vector<256x8xi32>
      %swap3A_1622 = arith.constant 0 : index
      %swap3A_1623 = arith.constant 0 : index
      %swap3A_1624 = vector.load %arg10[%swap3A_1622, %swap3A_1623] : memref<256x8xi32, #tpu.memory_space<vmem>>, vector<256x8xi32>
      tpu.vector_store %arg10[%swap3A_1622, %swap3A_1623], %broadcast_in_dim3A_1621 {strides = array<i32>} : memref<256x8xi32, #tpu.memory_space<vmem>>, vector<256x8xi32>,
    } else {
    }
    %get3A = arith.constant 0 : index
    %get3A_2 = arith.constant 0 : index
    %get3A_3 = vector.load %arg5[%get3A, %get3A_2] : memref<2000x32xf32, #tpu.memory_space<vmem>>, vector<2000x32xf32>
    %mul3A = arith.mulf %get3A_3, %get3A_3 : vector<2000x32xf32>
    %reduce_sum3A = arith.constant dense<0.000000e+00> : vector<2000xf32>
    %reduce_sum3A_4 = vector.multi_reduction <add>, %mul3A, %reduce_sum3A [1] : vector<2000x32xf32> to vector<2000xf32>
    %broadcast_in_dim3A = vector.shape_cast %reduce_sum3A_4 : vector<2000xf32> to vector<2000x1xf32>
    %sqrt3A = math.sqrt %broadcast_in_dim3A : vector<2000x1xf32>
    %max3A = arith.constant 9.99999996E-13 : f32
    %max3A_5 = vector.broadcast %max3A : f32 to vector<2000x1xf32>
    %max3A_6 = arith.maximumf %sqrt3A, %max3A_5 : vector<2000x1xf32>
    %div3A = vector.broadcast %max3A_6 : vector<2000x1xf32> to vector<2000x32xf32>
    %div3A_7 = arith.divf %get3A_3, %div3A : vector<2000x32xf32>
    %get3A_8 = arith.constant 0 : index
    %get3A_9 = arith.constant 0 : index
    %get3A_10 = vector.load %arg8[%get3A_8, %get3A_9] : memref<256x32xf32, #tpu.memory_space<vmem>>, vector<256x32xf32>
    %transpose3A = tpu.transpose %div3A_7, [1, 0] : vector<2000x32xf32> -> vector<32x2000xf32>
    %dot_general3A = arith.constant dense<0.000000e+00> : vector<256x2000xf32>
    %dot_general3A_11 = tpu.matmul %get3A_10, %transpose3A, %dot_general3A {dimension_numbers = #tpu.dot_dimension_numbers<[1], [0], [0], [1], [0, 0, 1, 1], [], []>, transpose_lhs_hint = false} : vector<256x32xf32>, vector<32x2000xf32>, vector<256x2000xf32> -> vector<256x2000xf32>
    %get3A_12 = arith.constant 0 : index
    %get3A_13 = arith.constant 0 : index
    %get3A_14 = arith.constant 0 : index
    %get3A_15 = vector.load %arg6[%get3A_12, %get3A_13, %get3A_14] : memref<1x1x2000xf32, #tpu.memory_space<vmem>>, vector<1x1x2000xf32>
    %get3A_16 = vector.shape_cast %get3A_15 : vector<1x1x2000xf32> to vector<1x2000xf32>
    %mul3A_17 = vector.broadcast %get3A_16 : vector<1x2000xf32> to vector<256x2000xf32>
    %mul3A_18 = arith.mulf %dot_general3A_11, %mul3A_17 : vector<256x2000xf32>
    %iota3A = tpu.iota {dimensions = array<i32: 1>} : vector<256x2000xi32>
    %mul3A_19 = arith.constant 2000 : i32
    %mul3A_20 = arith.muli %arg1, %mul3A_19 : i32
    %get3A_21 = arith.constant 0 : index
    %get3A_22 = arith.constant 0 : index
    %get3A_23 = vector.load %arg9[%get3A_21, %get3A_22] : memref<256x8xf32, #tpu.memory_space<vmem>>, vector<256x1xf32>
    %get3A_24 = arith.constant 0 : index
    %get3A_25 = arith.constant 1 : index
    %get3A_26 = vector.load %arg9[%get3A_24, %get3A_25] : memref<256x8xf32, #tpu.memory_space<vmem>>, vector<256x1xf32>
    %get3A_27 = arith.constant 0 : index
    %get3A_28 = arith.constant 2 : index
    %get3A_29 = vector.load %arg9[%get3A_27, %get3A_28] : memref<256x8xf32, #tpu.memory_space<vmem>>, vector<256x1xf32>
    %get3A_30 = arith.constant 0 : index
    %get3A_31 = arith.constant 3 : index
    %get3A_32 = vector.load %arg9[%get3A_30, %get3A_31] : memref<256x8xf32, #tpu.memory_space<vmem>>, vector<256x1xf32>
    %get3A_33 = arith.constant 0 : index
    %get3A_34 = arith.constant 4 : index
    %get3A_35 = vector.load %arg9[%get3A_33, %get3A_34] : memref<256x8xf32, #tpu.memory_space<vmem>>, vector<256x1xf32>
    %get3A_36 = arith.constant 0 : index
    %get3A_37 = arith.constant 5 : index
    %get3A_38 = vector.load %arg9[%get3A_36, %get3A_37] : memref<256x8xf32, #tpu.memory_space<vmem>>, vector<256x1xf32>
    %get3A_39 = arith.constant 0 : index
    %get3A_40 = arith.constant 6 : index
    %get3A_41 = vector.load %arg9[%get3A_39, %get3A_40] : memref<256x8xf32, #tpu.memory_space<vmem>>, vector<256x1xf32>
    %get3A_42 = arith.constant 0 : index
    %get3A_43 = arith.constant 7 : index
    %get3A_44 = vector.load %arg9[%get3A_42, %get3A_43] : memref<256x8xf32, #tpu.memory_space<vmem>>, vector<256x1xf32>
    %get3A_45 = arith.constant 0 : index
    %get3A_46 = arith.constant 0 : index
    %get3A_47 = vector.load %arg10[%get3A_45, %get3A_46] : memref<256x8xi32, #tpu.memory_space<vmem>>, vector<256x1xi32>
    %get3A_48 = arith.constant 0 : index
    %get3A_49 = arith.constant 1 : index
    %get3A_50 = vector.load %arg10[%get3A_48, %get3A_49] : memref<256x8xi32, #tpu.memory_space<vmem>>, vector<256x1xi32>
    %get3A_51 = arith.constant 0 : index
    %get3A_52 = arith.constant 2 : index
    %get3A_53 = vector.load %arg10[%get3A_51, %get3A_52] : memref<256x8xi32, #tpu.memory_space<vmem>>, vector<256x1xi32>
    %get3A_54 = arith.constant 0 : index
    %get3A_55 = arith.constant 3 : index
    %get3A_56 = vector.load %arg10[%get3A_54, %get3A_55] : memref<256x8xi32, #tpu.memory_space<vmem>>, vector<256x1xi32>
    %get3A_57 = arith.constant 0 : index
    %get3A_58 = arith.constant 4 : index
    %get3A_59 = vector.load %arg10[%get3A_57, %get3A_58] : memref<256x8xi32, #tpu.memory_space<vmem>>, vector<256x1xi32>
    %get3A_60 = arith.constant 0 : index
    %get3A_61 = arith.constant 5 : index
    %get3A_62 = vector.load %arg10[%get3A_60, %get3A_61] : memref<256x8xi32, #tpu.memory_space<vmem>>, vector<256x1xi32>
    %get3A_63 = arith.constant 0 : index
    %get3A_64 = arith.constant 6 : index
    %get3A_65 = vector.load %arg10[%get3A_63, %get3A_64] : memref<256x8xi32, #tpu.memory_space<vmem>>, vector<256x1xi32>
    %get3A_66 = arith.constant 0 : index
    %get3A_67 = arith.constant 7 : index
    %get3A_68 = vector.load %arg10[%get3A_66, %get3A_67] : memref<256x8xi32, #tpu.memory_space<vmem>>, vector<256x1xi32>
    %argmax3A = tpu.reduce_index %mul3A_18 {axis = 1 : i32, kind = #tpu.reduction_kind<arg_max>} : vector<256x2000xf32> -> vector<256xi32>
    %broadcast_in_dim3A_69 = vector.shape_cast %argmax3A : vector<256xi32> to vector<256x1xi32>
    %reduce_max3A = arith.constant dense<0xFF800000> : vector<256xf32>
    %reduce_max3A_70 = vector.multi_reduction <maximumf>, %mul3A_18, %reduce_max3A [1] : vector<256x2000xf32> to vector<256xf32>
    %broadcast_in_dim3A_71 = vector.shape_cast %reduce_max3A_70 : vector<256xf32> to vector<256x1xf32>
    %eq3A_72 = vector.broadcast %broadcast_in_dim3A_69 : vector<256x1xi32> to vector<256x2000xi32>
    %eq3A_73 = arith.cmpi eq, %iota3A, %eq3A_72 : vector<256x2000xi32>
    %add3A = vector.broadcast %mul3A_20 : i32 to vector<256x1xi32>
    %add3A_74 = arith.addi %broadcast_in_dim3A_69, %add3A : vector<256x1xi32>
    %jit3A = arith.constant 0xFF800000 : f32
    %broadcast_in_dim3A_75 = vector.broadcast %jit3A : f32 to vector<256x2000xf32>
    %select_n3A = arith.select %eq3A_73, %broadcast_in_dim3A_75, %mul3A_18 : vector<256x2000xi1>, vector<256x2000xf32>
    %argmax3A_76 = tpu.reduce_index %select_n3A {axis = 1 : i32, kind = #tpu.reduction_kind<arg_max>} : vector<256x2000xf32> -> vector<256xi32>
    %broadcast_in_dim3A_77 = vector.shape_cast %argmax3A_76 : vector<256xi32> to vector<256x1xi32>
    %reduce_max3A_78 = arith.constant dense<0xFF800000> : vector<256xf32>
    %reduce_max3A_79 = vector.multi_reduction <maximumf>, %select_n3A, %reduce_max3A_78 [1] : vector<256x2000xf32> to vector<256xf32>
    %broadcast_in_dim3A_80 = vector.shape_cast %reduce_max3A_79 : vector<256xf32> to vector<256x1xf32>
    %eq3A_81 = vector.broadcast %broadcast_in_dim3A_77 : vector<256x1xi32> to vector<256x2000xi32>
    %eq3A_82 = arith.cmpi eq, %iota3A, %eq3A_81 : vector<256x2000xi32>
    %add3A_83 = vector.broadcast %mul3A_20 : i32 to vector<256x1xi32>
    %add3A_84 = arith.addi %broadcast_in_dim3A_77, %add3A_83 : vector<256x1xi32>
    %jit3A_85 = arith.constant 0xFF800000 : f32
    %broadcast_in_dim3A_86 = vector.broadcast %jit3A_85 : f32 to vector<256x2000xf32>
    %select_n3A_87 = arith.select %eq3A_82, %broadcast_in_dim3A_86, %select_n3A : vector<256x2000xi1>, vector<256x2000xf32>
    %argmax3A_88 = tpu.reduce_index %select_n3A_87 {axis = 1 : i32, kind = #tpu.reduction_kind<arg_max>} : vector<256x2000xf32> -> vector<256xi32>
    %broadcast_in_dim3A_89 = vector.shape_cast %argmax3A_88 : vector<256xi32> to vector<256x1xi32>
    %reduce_max3A_90 = arith.constant dense<0xFF800000> : vector<256xf32>
    %reduce_max3A_91 = vector.multi_reduction <maximumf>, %select_n3A_87, %reduce_max3A_90 [1] : vector<256x2000xf32> to vector<256xf32>
    %broadcast_in_dim3A_92 = vector.shape_cast %reduce_max3A_91 : vector<256xf32> to vector<256x1xf32>
    %eq3A_93 = vector.broadcast %broadcast_in_dim3A_89 : vector<256x1xi32> to vector<256x2000xi32>
    %eq3A_94 = arith.cmpi eq, %iota3A, %eq3A_93 : vector<256x2000xi32>
    %add3A_95 = vector.broadcast %mul3A_20 : i32 to vector<256x1xi32>
    %add3A_96 = arith.addi %broadcast_in_dim3A_89, %add3A_95 : vector<256x1xi32>
    %jit3A_97 = arith.constant 0xFF800000 : f32
    %broadcast_in_dim3A_98 = vector.broadcast %jit3A_97 : f32 to vector<256x2000xf32>
    %select_n3A_99 = arith.select %eq3A_94, %broadcast_in_dim3A_98, %select_n3A_87 : vector<256x2000xi1>, vector<256x2000xf32>
    %argmax3A_100 = tpu.reduce_index %select_n3A_99 {axis = 1 : i32, kind = #tpu.reduction_kind<arg_max>} : vector<256x2000xf32> -> vector<256xi32>
    %broadcast_in_dim3A_101 = vector.shape_cast %argmax3A_100 : vector<256xi32> to vector<256x1xi32>
    %reduce_max3A_102 = arith.constant dense<0xFF800000> : vector<256xf32>
    %reduce_max3A_103 = vector.multi_reduction <maximumf>, %select_n3A_99, %reduce_max3A_102 [1] : vector<256x2000xf32> to vector<256xf32>
    %broadcast_in_dim3A_104 = vector.shape_cast %reduce_max3A_103 : vector<256xf32> to vector<256x1xf32>
    %eq3A_105 = vector.broadcast %broadcast_in_dim3A_101 : vector<256x1xi32> to vector<256x2000xi32>
    %eq3A_106 = arith.cmpi eq, %iota3A, %eq3A_105 : vector<256x2000xi32>
    %add3A_107 = vector.broadcast %mul3A_20 : i32 to vector<256x1xi32>
    %add3A_108 = arith.addi %broadcast_in_dim3A_101, %add3A_107 : vector<256x1xi32>
    %jit3A_109 = arith.constant 0xFF800000 : f32
    %broadcast_in_dim3A_110 = vector.broadcast %jit3A_109 : f32 to vector<256x2000xf32>
    %select_n3A_111 = arith.select %eq3A_106, %broadcast_in_dim3A_110, %select_n3A_99 : vector<256x2000xi1>, vector<256x2000xf32>
    %argmax3A_112 = tpu.reduce_index %select_n3A_111 {axis = 1 : i32, kind = #tpu.reduction_kind<arg_max>} : vector<256x2000xf32> -> vector<256xi32>
    %broadcast_in_dim3A_113 = vector.shape_cast %argmax3A_112 : vector<256xi32> to vector<256x1xi32>
    %reduce_max3A_114 = arith.constant dense<0xFF800000> : vector<256xf32>
    %reduce_max3A_115 = vector.multi_reduction <maximumf>, %select_n3A_111, %reduce_max3A_114 [1] : vector<256x2000xf32> to vector<256xf32>
    %broadcast_in_dim3A_116 = vector.shape_cast %reduce_max3A_115 : vector<256xf32> to vector<256x1xf32>
    %eq3A_117 = vector.broadcast %broadcast_in_dim3A_113 : vector<256x1xi32> to vector<256x2000xi32>
    %eq3A_118 = arith.cmpi eq, %iota3A, %eq3A_117 : vector<256x2000xi32>
    %add3A_119 = vector.broadcast %mul3A_20 : i32 to vector<256x1xi32>
    %add3A_120 = arith.addi %broadcast_in_dim3A_113, %add3A_119 : vector<256x1xi32>
    %jit3A_121 = arith.constant 0xFF800000 : f32
    %broadcast_in_dim3A_122 = vector.broadcast %jit3A_121 : f32 to vector<256x2000xf32>
    %select_n3A_123 = arith.select %eq3A_118, %broadcast_in_dim3A_122, %select_n3A_111 : vector<256x2000xi1>, vector<256x2000xf32>
    %argmax3A_124 = tpu.reduce_index %select_n3A_123 {axis = 1 : i32, kind = #tpu.reduction_kind<arg_max>} : vector<256x2000xf32> -> vector<256xi32>
    %broadcast_in_dim3A_125 = vector.shape_cast %argmax3A_124 : vector<256xi32> to vector<256x1xi32>
    %reduce_max3A_126 = arith.constant dense<0xFF800000> : vector<256xf32>
    %reduce_max3A_127 = vector.multi_reduction <maximumf>, %select_n3A_123, %reduce_max3A_126 [1] : vector<256x2000xf32> to vector<256xf32>
    %broadcast_in_dim3A_128 = vector.shape_cast %reduce_max3A_127 : vector<256xf32> to vector<256x1xf32>
    %eq3A_129 = vector.broadcast %broadcast_in_dim3A_125 : vector<256x1xi32> to vector<256x2000xi32>
    %eq3A_130 = arith.cmpi eq, %iota3A, %eq3A_129 : vector<256x2000xi32>
    %add3A_131 = vector.broadcast %mul3A_20 : i32 to vector<256x1xi32>
    %add3A_132 = arith.addi %broadcast_in_dim3A_125, %add3A_131 : vector<256x1xi32>
    %jit3A_133 = arith.constant 0xFF800000 : f32
    %broadcast_in_dim3A_134 = vector.broadcast %jit3A_133 : f32 to vector<256x2000xf32>
    %select_n3A_135 = arith.select %eq3A_130, %broadcast_in_dim3A_134, %select_n3A_123 : vector<256x2000xi1>, vector<256x2000xf32>
    %argmax3A_136 = tpu.reduce_index %select_n3A_135 {axis = 1 : i32, kind = #tpu.reduction_kind<arg_max>} : vector<256x2000xf32> -> vector<256xi32>
    %broadcast_in_dim3A_137 = vector.shape_cast %argmax3A_136 : vector<256xi32> to vector<256x1xi32>
    %reduce_max3A_138 = arith.constant dense<0xFF800000> : vector<256xf32>
    %reduce_max3A_139 = vector.multi_reduction <maximumf>, %select_n3A_135, %reduce_max3A_138 [1] : vector<256x2000xf32> to vector<256xf32>
    %broadcast_in_dim3A_140 = vector.shape_cast %reduce_max3A_139 : vector<256xf32> to vector<256x1xf32>
    %eq3A_141 = vector.broadcast %broadcast_in_dim3A_137 : vector<256x1xi32> to vector<256x2000xi32>
    %eq3A_142 = arith.cmpi eq, %iota3A, %eq3A_141 : vector<256x2000xi32>
    %add3A_143 = vector.broadcast %mul3A_20 : i32 to vector<256x1xi32>
    %add3A_144 = arith.addi %broadcast_in_dim3A_137, %add3A_143 : vector<256x1xi32>
    %jit3A_145 = arith.constant 0xFF800000 : f32
    %broadcast_in_dim3A_146 = vector.broadcast %jit3A_145 : f32 to vector<256x2000xf32>
    %select_n3A_147 = arith.select %eq3A_142, %broadcast_in_dim3A_146, %select_n3A_135 : vector<256x2000xi1>, vector<256x2000xf32>
    %argmax3A_148 = tpu.reduce_index %select_n3A_147 {axis = 1 : i32, kind = #tpu.reduction_kind<arg_max>} : vector<256x2000xf32> -> vector<256xi32>
    %broadcast_in_dim3A_149 = vector.shape_cast %argmax3A_148 : vector<256xi32> to vector<256x1xi32>
    %reduce_max3A_150 = arith.constant dense<0xFF800000> : vector<256xf32>
    %reduce_max3A_151 = vector.multi_reduction <maximumf>, %select_n3A_147, %reduce_max3A_150 [1] : vector<256x2000xf32> to vector<256xf32>
    %broadcast_in_dim3A_152 = vector.shape_cast %reduce_max3A_151 : vector<256xf32> to vector<256x1xf32>
    %add3A_153 = vector.broadcast %mul3A_20 : i32 to vector<256x1xi32>
    %add3A_154 = arith.addi %broadcast_in_dim3A_149, %add3A_153 : vector<256x1xi32>
    %max3A_155 = arith.maximumf %get3A_23, %get3A_26 : vector<256x1xf32>
    %max3A_156 = arith.maximumf %max3A_155, %get3A_29 : vector<256x1xf32>
    %max3A_157 = arith.maximumf %max3A_156, %get3A_32 : vector<256x1xf32>
    %max3A_158 = arith.maximumf %max3A_157, %get3A_35 : vector<256x1xf32>
    %max3A_159 = arith.maximumf %max3A_158, %get3A_38 : vector<256x1xf32>
    %max3A_160 = arith.maximumf %max3A_159, %get3A_41 : vector<256x1xf32>
    %max3A_161 = arith.maximumf %max3A_160, %get3A_44 : vector<256x1xf32>
    %max3A_162 = arith.maximumf %max3A_161, %broadcast_in_dim3A_71 : vector<256x1xf32>
    %max3A_163 = arith.maximumf %max3A_162, %broadcast_in_dim3A_80 : vector<256x1xf32>
    %max3A_164 = arith.maximumf %max3A_163, %broadcast_in_dim3A_92 : vector<256x1xf32>
    %max3A_165 = arith.maximumf %max3A_164, %broadcast_in_dim3A_104 : vector<256x1xf32>
    %max3A_166 = arith.maximumf %max3A_165, %broadcast_in_dim3A_116 : vector<256x1xf32>
    %max3A_167 = arith.maximumf %max3A_166, %broadcast_in_dim3A_128 : vector<256x1xf32>
    %max3A_168 = arith.maximumf %max3A_167, %broadcast_in_dim3A_140 : vector<256x1xf32>
    %max3A_169 = arith.maximumf %max3A_168, %broadcast_in_dim3A_152 : vector<256x1xf32>
    %eq3A_170 = arith.cmpf oeq, %get3A_23, %max3A_169 : vector<256x1xf32>
    %jit3A_171 = arith.constant 1073741824 : i32
    %broadcast_in_dim3A_172 = vector.broadcast %jit3A_171 : i32 to vector<256x1xi32>
    %select_n3A_173 = arith.select %eq3A_170, %get3A_47, %broadcast_in_dim3A_172 : vector<256x1xi1>, vector<256x1xi32>
    %eq3A_174 = arith.cmpf oeq, %get3A_26, %max3A_169 : vector<256x1xf32>
    %jit3A_175 = arith.constant 1073741824 : i32
    %broadcast_in_dim3A_176 = vector.broadcast %jit3A_175 : i32 to vector<256x1xi32>
    %select_n3A_177 = arith.select %eq3A_174, %get3A_50, %broadcast_in_dim3A_176 : vector<256x1xi1>, vector<256x1xi32>
    %eq3A_178 = arith.cmpf oeq, %get3A_29, %max3A_169 : vector<256x1xf32>
    %jit3A_179 = arith.constant 1073741824 : i32
    %broadcast_in_dim3A_180 = vector.broadcast %jit3A_179 : i32 to vector<256x1xi32>
    %select_n3A_181 = arith.select %eq3A_178, %get3A_53, %broadcast_in_dim3A_180 : vector<256x1xi1>, vector<256x1xi32>
    %eq3A_182 = arith.cmpf oeq, %get3A_32, %max3A_169 : vector<256x1xf32>
    %jit3A_183 = arith.constant 1073741824 : i32
    %broadcast_in_dim3A_184 = vector.broadcast %jit3A_183 : i32 to vector<256x1xi32>
    %select_n3A_185 = arith.select %eq3A_182, %get3A_56, %broadcast_in_dim3A_184 : vector<256x1xi1>, vector<256x1xi32>
    %eq3A_186 = arith.cmpf oeq, %get3A_35, %max3A_169 : vector<256x1xf32>
    %jit3A_187 = arith.constant 1073741824 : i32
    %broadcast_in_dim3A_188 = vector.broadcast %jit3A_187 : i32 to vector<256x1xi32>
    %select_n3A_189 = arith.select %eq3A_186, %get3A_59, %broadcast_in_dim3A_188 : vector<256x1xi1>, vector<256x1xi32>
    %eq3A_190 = arith.cmpf oeq, %get3A_38, %max3A_169 : vector<256x1xf32>
    %jit3A_191 = arith.constant 1073741824 : i32
    %broadcast_in_dim3A_192 = vector.broadcast %jit3A_191 : i32 to vector<256x1xi32>
    %select_n3A_193 = arith.select %eq3A_190, %get3A_62, %broadcast_in_dim3A_192 : vector<256x1xi1>, vector<256x1xi32>
    %eq3A_194 = arith.cmpf oeq, %get3A_41, %max3A_169 : vector<256x1xf32>
    %jit3A_195 = arith.constant 1073741824 : i32
    %broadcast_in_dim3A_196 = vector.broadcast %jit3A_195 : i32 to vector<256x1xi32>
    %select_n3A_197 = arith.select %eq3A_194, %get3A_65, %broadcast_in_dim3A_196 : vector<256x1xi1>, vector<256x1xi32>
    %eq3A_198 = arith.cmpf oeq, %get3A_44, %max3A_169 : vector<256x1xf32>
    %jit3A_199 = arith.constant 1073741824 : i32
    %broadcast_in_dim3A_200 = vector.broadcast %jit3A_199 : i32 to vector<256x1xi32>
    %select_n3A_201 = arith.select %eq3A_198, %get3A_68, %broadcast_in_dim3A_200 : vector<256x1xi1>, vector<256x1xi32>
    %eq3A_202 = arith.cmpf oeq, %broadcast_in_dim3A_71, %max3A_169 : vector<256x1xf32>
    %jit3A_203 = arith.constant 1073741824 : i32
    %broadcast_in_dim3A_204 = vector.broadcast %jit3A_203 : i32 to vector<256x1xi32>
    %select_n3A_205 = arith.select %eq3A_202, %add3A_74, %broadcast_in_dim3A_204 : vector<256x1xi1>, vector<256x1xi32>
    %eq3A_206 = arith.cmpf oeq, %broadcast_in_dim3A_80, %max3A_169 : vector<256x1xf32>
    %jit3A_207 = arith.constant 1073741824 : i32
    %broadcast_in_dim3A_208 = vector.broadcast %jit3A_207 : i32 to vector<256x1xi32>
    %select_n3A_209 = arith.select %eq3A_206, %add3A_84, %broadcast_in_dim3A_208 : vector<256x1xi1>, vector<256x1xi32>
    %eq3A_210 = arith.cmpf oeq, %broadcast_in_dim3A_92, %max3A_169 : vector<256x1xf32>
    %jit3A_211 = arith.constant 1073741824 : i32
    %broadcast_in_dim3A_212 = vector.broadcast %jit3A_211 : i32 to vector<256x1xi32>
    %select_n3A_213 = arith.select %eq3A_210, %add3A_96, %broadcast_in_dim3A_212 : vector<256x1xi1>, vector<256x1xi32>
    %eq3A_214 = arith.cmpf oeq, %broadcast_in_dim3A_104, %max3A_169 : vector<256x1xf32>
    %jit3A_215 = arith.constant 1073741824 : i32
    %broadcast_in_dim3A_216 = vector.broadcast %jit3A_215 : i32 to vector<256x1xi32>
    %select_n3A_217 = arith.select %eq3A_214, %add3A_108, %broadcast_in_dim3A_216 : vector<256x1xi1>, vector<256x1xi32>
    %eq3A_218 = arith.cmpf oeq, %broadcast_in_dim3A_116, %max3A_169 : vector<256x1xf32>
    %jit3A_219 = arith.constant 1073741824 : i32
    %broadcast_in_dim3A_220 = vector.broadcast %jit3A_219 : i32 to vector<256x1xi32>
    %select_n3A_221 = arith.select %eq3A_218, %add3A_120, %broadcast_in_dim3A_220 : vector<256x1xi1>, vector<256x1xi32>
    %eq3A_222 = arith.cmpf oeq, %broadcast_in_dim3A_128, %max3A_169 : vector<256x1xf32>
    %jit3A_223 = arith.constant 1073741824 : i32
    %broadcast_in_dim3A_224 = vector.broadcast %jit3A_223 : i32 to vector<256x1xi32>
    %select_n3A_225 = arith.select %eq3A_222, %add3A_132, %broadcast_in_dim3A_224 : vector<256x1xi1>, vector<256x1xi32>
    %eq3A_226 = arith.cmpf oeq, %broadcast_in_dim3A_140, %max3A_169 : vector<256x1xf32>
    %jit3A_227 = arith.constant 1073741824 : i32
    %broadcast_in_dim3A_228 = vector.broadcast %jit3A_227 : i32 to vector<256x1xi32>
    %select_n3A_229 = arith.select %eq3A_226, %add3A_144, %broadcast_in_dim3A_228 : vector<256x1xi1>, vector<256x1xi32>
    %eq3A_230 = arith.cmpf oeq, %broadcast_in_dim3A_152, %max3A_169 : vector<256x1xf32>
    %jit3A_231 = arith.constant 1073741824 : i32
    %broadcast_in_dim3A_232 = vector.broadcast %jit3A_231 : i32 to vector<256x1xi32>
    %select_n3A_233 = arith.select %eq3A_230, %add3A_154, %broadcast_in_dim3A_232 : vector<256x1xi1>, vector<256x1xi32>
    %min3A = arith.minsi %select_n3A_173, %select_n3A_177 : vector<256x1xi32>
    %min3A_234 = arith.minsi %min3A, %select_n3A_181 : vector<256x1xi32>
    %min3A_235 = arith.minsi %min3A_234, %select_n3A_185 : vector<256x1xi32>
    %min3A_236 = arith.minsi %min3A_235, %select_n3A_189 : vector<256x1xi32>
    %min3A_237 = arith.minsi %min3A_236, %select_n3A_193 : vector<256x1xi32>
    %min3A_238 = arith.minsi %min3A_237, %select_n3A_197 : vector<256x1xi32>
    %min3A_239 = arith.minsi %min3A_238, %select_n3A_201 : vector<256x1xi32>
    %min3A_240 = arith.minsi %min3A_239, %select_n3A_205 : vector<256x1xi32>
    %min3A_241 = arith.minsi %min3A_240, %select_n3A_209 : vector<256x1xi32>
    %min3A_242 = arith.minsi %min3A_241, %select_n3A_213 : vector<256x1xi32>
    %min3A_243 = arith.minsi %min3A_242, %select_n3A_217 : vector<256x1xi32>
    %min3A_244 = arith.minsi %min3A_243, %select_n3A_221 : vector<256x1xi32>
    %min3A_245 = arith.minsi %min3A_244, %select_n3A_225 : vector<256x1xi32>
    %min3A_246 = arith.minsi %min3A_245, %select_n3A_229 : vector<256x1xi32>
    %min3A_247 = arith.minsi %min3A_246, %select_n3A_233 : vector<256x1xi32>
    %eq3A_248 = arith.cmpf oeq, %get3A_23, %max3A_169 : vector<256x1xf32>
    %eq3A_249 = arith.cmpi eq, %get3A_47, %min3A_247 : vector<256x1xi32>
    %and3A = arith.andi %eq3A_248, %eq3A_249 : vector<256x1xi1>
    %eq3A_250 = arith.cmpf oeq, %get3A_26, %max3A_169 : vector<256x1xf32>
    %eq3A_251 = arith.cmpi eq, %get3A_50, %min3A_247 : vector<256x1xi32>
    %and3A_252 = arith.andi %eq3A_250, %eq3A_251 : vector<256x1xi1>
    %eq3A_253 = arith.cmpf oeq, %get3A_29, %max3A_169 : vector<256x1xf32>
    %eq3A_254 = arith.cmpi eq, %get3A_53, %min3A_247 : vector<256x1xi32>
    %and3A_255 = arith.andi %eq3A_253, %eq3A_254 : vector<256x1xi1>
    %eq3A_256 = arith.cmpf oeq, %get3A_32, %max3A_169 : vector<256x1xf32>
    %eq3A_257 = arith.cmpi eq, %get3A_56, %min3A_247 : vector<256x1xi32>
    %and3A_258 = arith.andi %eq3A_256, %eq3A_257 : vector<256x1xi1>
    %eq3A_259 = arith.cmpf oeq, %get3A_35, %max3A_169 : vector<256x1xf32>
    %eq3A_260 = arith.cmpi eq, %get3A_59, %min3A_247 : vector<256x1xi32>
    %and3A_261 = arith.andi %eq3A_259, %eq3A_260 : vector<256x1xi1>
    %eq3A_262 = arith.cmpf oeq, %get3A_38, %max3A_169 : vector<256x1xf32>
    %eq3A_263 = arith.cmpi eq, %get3A_62, %min3A_247 : vector<256x1xi32>
    %and3A_264 = arith.andi %eq3A_262, %eq3A_263 : vector<256x1xi1>
    %eq3A_265 = arith.cmpf oeq, %get3A_41, %max3A_169 : vector<256x1xf32>
    %eq3A_266 = arith.cmpi eq, %get3A_65, %min3A_247 : vector<256x1xi32>
    %and3A_267 = arith.andi %eq3A_265, %eq3A_266 : vector<256x1xi1>
    %eq3A_268 = arith.cmpf oeq, %get3A_44, %max3A_169 : vector<256x1xf32>
    %eq3A_269 = arith.cmpi eq, %get3A_68, %min3A_247 : vector<256x1xi32>
    %and3A_270 = arith.andi %eq3A_268, %eq3A_269 : vector<256x1xi1>
    %eq3A_271 = arith.cmpf oeq, %broadcast_in_dim3A_71, %max3A_169 : vector<256x1xf32>
    %eq3A_272 = arith.cmpi eq, %add3A_74, %min3A_247 : vector<256x1xi32>
    %and3A_273 = arith.andi %eq3A_271, %eq3A_272 : vector<256x1xi1>
    %eq3A_274 = arith.cmpf oeq, %broadcast_in_dim3A_80, %max3A_169 : vector<256x1xf32>
    %eq3A_275 = arith.cmpi eq, %add3A_84, %min3A_247 : vector<256x1xi32>
    %and3A_276 = arith.andi %eq3A_274, %eq3A_275 : vector<256x1xi1>
    %eq3A_277 = arith.cmpf oeq, %broadcast_in_dim3A_92, %max3A_169 : vector<256x1xf32>
    %eq3A_278 = arith.cmpi eq, %add3A_96, %min3A_247 : vector<256x1xi32>
    %and3A_279 = arith.andi %eq3A_277, %eq3A_278 : vector<256x1xi1>
    %eq3A_280 = arith.cmpf oeq, %broadcast_in_dim3A_104, %max3A_169 : vector<256x1xf32>
    %eq3A_281 = arith.cmpi eq, %add3A_108, %min3A_247 : vector<256x1xi32>
    %and3A_282 = arith.andi %eq3A_280, %eq3A_281 : vector<256x1xi1>
    %eq3A_283 = arith.cmpf oeq, %broadcast_in_dim3A_116, %max3A_169 : vector<256x1xf32>
    %eq3A_284 = arith.cmpi eq, %add3A_120, %min3A_247 : vector<256x1xi32>
    %and3A_285 = arith.andi %eq3A_283, %eq3A_284 : vector<256x1xi1>
    %eq3A_286 = arith.cmpf oeq, %broadcast_in_dim3A_128, %max3A_169 : vector<256x1xf32>
    %eq3A_287 = arith.cmpi eq, %add3A_132, %min3A_247 : vector<256x1xi32>
    %and3A_288 = arith.andi %eq3A_286, %eq3A_287 : vector<256x1xi1>
    %eq3A_289 = arith.cmpf oeq, %broadcast_in_dim3A_140, %max3A_169 : vector<256x1xf32>
    %eq3A_290 = arith.cmpi eq, %add3A_144, %min3A_247 : vector<256x1xi32>
    %and3A_291 = arith.andi %eq3A_289, %eq3A_290 : vector<256x1xi1>
    %eq3A_292 = arith.cmpf oeq, %broadcast_in_dim3A_152, %max3A_169 : vector<256x1xf32>
    %eq3A_293 = arith.cmpi eq, %add3A_154, %min3A_247 : vector<256x1xi32>
    %and3A_294 = arith.andi %eq3A_292, %eq3A_293 : vector<256x1xi1>
    %jit3A_295 = arith.constant 0xFF800000 : f32
    %broadcast_in_dim3A_296 = vector.broadcast %jit3A_295 : f32 to vector<256x1xf32>
    %select_n3A_297 = arith.select %and3A, %broadcast_in_dim3A_296, %get3A_23 : vector<256x1xi1>, vector<256x1xf32>
    %jit3A_298 = arith.constant 0xFF800000 : f32
    %broadcast_in_dim3A_299 = vector.broadcast %jit3A_298 : f32 to vector<256x1xf32>
    %select_n3A_300 = arith.select %and3A_252, %broadcast_in_dim3A_299, %get3A_26 : vector<256x1xi1>, vector<256x1xf32>
    %jit3A_301 = arith.constant 0xFF800000 : f32
    %broadcast_in_dim3A_302 = vector.broadcast %jit3A_301 : f32 to vector<256x1xf32>
    %select_n3A_303 = arith.select %and3A_255, %broadcast_in_dim3A_302, %get3A_29 : vector<256x1xi1>, vector<256x1xf32>
    %jit3A_304 = arith.constant 0xFF800000 : f32
    %broadcast_in_dim3A_305 = vector.broadcast %jit3A_304 : f32 to vector<256x1xf32>
    %select_n3A_306 = arith.select %and3A_258, %broadcast_in_dim3A_305, %get3A_32 : vector<256x1xi1>, vector<256x1xf32>
    %jit3A_307 = arith.constant 0xFF800000 : f32
    %broadcast_in_dim3A_308 = vector.broadcast %jit3A_307 : f32 to vector<256x1xf32>
    %select_n3A_309 = arith.select %and3A_261, %broadcast_in_dim3A_308, %get3A_35 : vector<256x1xi1>, vector<256x1xf32>
    %jit3A_310 = arith.constant 0xFF800000 : f32
    %broadcast_in_dim3A_311 = vector.broadcast %jit3A_310 : f32 to vector<256x1xf32>
    %select_n3A_312 = arith.select %and3A_264, %broadcast_in_dim3A_311, %get3A_38 : vector<256x1xi1>, vector<256x1xf32>
    %jit3A_313 = arith.constant 0xFF800000 : f32
    %broadcast_in_dim3A_314 = vector.broadcast %jit3A_313 : f32 to vector<256x1xf32>
    %select_n3A_315 = arith.select %and3A_267, %broadcast_in_dim3A_314, %get3A_41 : vector<256x1xi1>, vector<256x1xf32>
    %jit3A_316 = arith.constant 0xFF800000 : f32
    %broadcast_in_dim3A_317 = vector.broadcast %jit3A_316 : f32 to vector<256x1xf32>
    %select_n3A_318 = arith.select %and3A_270, %broadcast_in_dim3A_317, %get3A_44 : vector<256x1xi1>, vector<256x1xf32>
    %jit3A_319 = arith.constant 0xFF800000 : f32
    %broadcast_in_dim3A_320 = vector.broadcast %jit3A_319 : f32 to vector<256x1xf32>
    %select_n3A_321 = arith.select %and3A_273, %broadcast_in_dim3A_320, %broadcast_in_dim3A_71 : vector<256x1xi1>, vector<256x1xf32>
    %jit3A_322 = arith.constant 0xFF800000 : f32
    %broadcast_in_dim3A_323 = vector.broadcast %jit3A_322 : f32 to vector<256x1xf32>
    %select_n3A_324 = arith.select %and3A_276, %broadcast_in_dim3A_323, %broadcast_in_dim3A_80 : vector<256x1xi1>, vector<256x1xf32>
    %jit3A_325 = arith.constant 0xFF800000 : f32
    %broadcast_in_dim3A_326 = vector.broadcast %jit3A_325 : f32 to vector<256x1xf32>
    %select_n3A_327 = arith.select %and3A_279, %broadcast_in_dim3A_326, %broadcast_in_dim3A_92 : vector<256x1xi1>, vector<256x1xf32>
    %jit3A_328 = arith.constant 0xFF800000 : f32
    %broadcast_in_dim3A_329 = vector.broadcast %jit3A_328 : f32 to vector<256x1xf32>
    %select_n3A_330 = arith.select %and3A_282, %broadcast_in_dim3A_329, %broadcast_in_dim3A_104 : vector<256x1xi1>, vector<256x1xf32>
    %jit3A_331 = arith.constant 0xFF800000 : f32
    %broadcast_in_dim3A_332 = vector.broadcast %jit3A_331 : f32 to vector<256x1xf32>
    %select_n3A_333 = arith.select %and3A_285, %broadcast_in_dim3A_332, %broadcast_in_dim3A_116 : vector<256x1xi1>, vector<256x1xf32>
    %jit3A_334 = arith.constant 0xFF800000 : f32
    %broadcast_in_dim3A_335 = vector.broadcast %jit3A_334 : f32 to vector<256x1xf32>
    %select_n3A_336 = arith.select %and3A_288, %broadcast_in_dim3A_335, %broadcast_in_dim3A_128 : vector<256x1xi1>, vector<256x1xf32>
    %jit3A_337 = arith.constant 0xFF800000 : f32
    %broadcast_in_dim3A_338 = vector.broadcast %jit3A_337 : f32 to vector<256x1xf32>
    %select_n3A_339 = arith.select %and3A_291, %broadcast_in_dim3A_338, %broadcast_in_dim3A_140 : vector<256x1xi1>, vector<256x1xf32>
    %jit3A_340 = arith.constant 0xFF800000 : f32
    %broadcast_in_dim3A_341 = vector.broadcast %jit3A_340 : f32 to vector<256x1xf32>
    %select_n3A_342 = arith.select %and3A_294, %broadcast_in_dim3A_341, %broadcast_in_dim3A_152 : vector<256x1xi1>, vector<256x1xf32>
    %max3A_343 = arith.maximumf %select_n3A_297, %select_n3A_300 : vector<256x1xf32>
    %max3A_344 = arith.maximumf %max3A_343, %select_n3A_303 : vector<256x1xf32>
    %max3A_345 = arith.maximumf %max3A_344, %select_n3A_306 : vector<256x1xf32>
    %max3A_346 = arith.maximumf %max3A_345, %select_n3A_309 : vector<256x1xf32>
    %max3A_347 = arith.maximumf %max3A_346, %select_n3A_312 : vector<256x1xf32>
    %max3A_348 = arith.maximumf %max3A_347, %select_n3A_315 : vector<256x1xf32>
    %max3A_349 = arith.maximumf %max3A_348, %select_n3A_318 : vector<256x1xf32>
    %max3A_350 = arith.maximumf %max3A_349, %select_n3A_321 : vector<256x1xf32>
    %max3A_351 = arith.maximumf %max3A_350, %select_n3A_324 : vector<256x1xf32>
    %max3A_352 = arith.maximumf %max3A_351, %select_n3A_327 : vector<256x1xf32>
    %max3A_353 = arith.maximumf %max3A_352, %select_n3A_330 : vector<256x1xf32>
    %max3A_354 = arith.maximumf %max3A_353, %select_n3A_333 : vector<256x1xf32>
    %max3A_355 = arith.maximumf %max3A_354, %select_n3A_336 : vector<256x1xf32>
    %max3A_356 = arith.maximumf %max3A_355, %select_n3A_339 : vector<256x1xf32>
    %max3A_357 = arith.maximumf %max3A_356, %select_n3A_342 : vector<256x1xf32>
    %eq3A_358 = arith.cmpf oeq, %select_n3A_297, %max3A_357 : vector<256x1xf32>
    %jit3A_359 = arith.constant 1073741824 : i32
    %broadcast_in_dim3A_360 = vector.broadcast %jit3A_359 : i32 to vector<256x1xi32>
    %select_n3A_361 = arith.select %eq3A_358, %get3A_47, %broadcast_in_dim3A_360 : vector<256x1xi1>, vector<256x1xi32>
    %eq3A_362 = arith.cmpf oeq, %select_n3A_300, %max3A_357 : vector<256x1xf32>
    %jit3A_363 = arith.constant 1073741824 : i32
    %broadcast_in_dim3A_364 = vector.broadcast %jit3A_363 : i32 to vector<256x1xi32>
    %select_n3A_365 = arith.select %eq3A_362, %get3A_50, %broadcast_in_dim3A_364 : vector<256x1xi1>, vector<256x1xi32>
    %eq3A_366 = arith.cmpf oeq, %select_n3A_303, %max3A_357 : vector<256x1xf32>
    %jit3A_367 = arith.constant 1073741824 : i32
    %broadcast_in_dim3A_368 = vector.broadcast %jit3A_367 : i32 to vector<256x1xi32>
    %select_n3A_369 = arith.select %eq3A_366, %get3A_53, %broadcast_in_dim3A_368 : vector<256x1xi1>, vector<256x1xi32>
    %eq3A_370 = arith.cmpf oeq, %select_n3A_306, %max3A_357 : vector<256x1xf32>
    %jit3A_371 = arith.constant 1073741824 : i32
    %broadcast_in_dim3A_372 = vector.broadcast %jit3A_371 : i32 to vector<256x1xi32>
    %select_n3A_373 = arith.select %eq3A_370, %get3A_56, %broadcast_in_dim3A_372 : vector<256x1xi1>, vector<256x1xi32>
    %eq3A_374 = arith.cmpf oeq, %select_n3A_309, %max3A_357 : vector<256x1xf32>
    %jit3A_375 = arith.constant 1073741824 : i32
    %broadcast_in_dim3A_376 = vector.broadcast %jit3A_375 : i32 to vector<256x1xi32>
    %select_n3A_377 = arith.select %eq3A_374, %get3A_59, %broadcast_in_dim3A_376 : vector<256x1xi1>, vector<256x1xi32>
    %eq3A_378 = arith.cmpf oeq, %select_n3A_312, %max3A_357 : vector<256x1xf32>
    %jit3A_379 = arith.constant 1073741824 : i32
    %broadcast_in_dim3A_380 = vector.broadcast %jit3A_379 : i32 to vector<256x1xi32>
    %select_n3A_381 = arith.select %eq3A_378, %get3A_62, %broadcast_in_dim3A_380 : vector<256x1xi1>, vector<256x1xi32>
    %eq3A_382 = arith.cmpf oeq, %select_n3A_315, %max3A_357 : vector<256x1xf32>
    %jit3A_383 = arith.constant 1073741824 : i32
    %broadcast_in_dim3A_384 = vector.broadcast %jit3A_383 : i32 to vector<256x1xi32>
    %select_n3A_385 = arith.select %eq3A_382, %get3A_65, %broadcast_in_dim3A_384 : vector<256x1xi1>, vector<256x1xi32>
    %eq3A_386 = arith.cmpf oeq, %select_n3A_318, %max3A_357 : vector<256x1xf32>
    %jit3A_387 = arith.constant 1073741824 : i32
    %broadcast_in_dim3A_388 = vector.broadcast %jit3A_387 : i32 to vector<256x1xi32>
    %select_n3A_389 = arith.select %eq3A_386, %get3A_68, %broadcast_in_dim3A_388 : vector<256x1xi1>, vector<256x1xi32>
    %eq3A_390 = arith.cmpf oeq, %select_n3A_321, %max3A_357 : vector<256x1xf32>
    %jit3A_391 = arith.constant 1073741824 : i32
    %broadcast_in_dim3A_392 = vector.broadcast %jit3A_391 : i32 to vector<256x1xi32>
    %select_n3A_393 = arith.select %eq3A_390, %add3A_74, %broadcast_in_dim3A_392 : vector<256x1xi1>, vector<256x1xi32>
    %eq3A_394 = arith.cmpf oeq, %select_n3A_324, %max3A_357 : vector<256x1xf32>
    %jit3A_395 = arith.constant 1073741824 : i32
    %broadcast_in_dim3A_396 = vector.broadcast %jit3A_395 : i32 to vector<256x1xi32>
    %select_n3A_397 = arith.select %eq3A_394, %add3A_84, %broadcast_in_dim3A_396 : vector<256x1xi1>, vector<256x1xi32>
    %eq3A_398 = arith.cmpf oeq, %select_n3A_327, %max3A_357 : vector<256x1xf32>
    %jit3A_399 = arith.constant 1073741824 : i32
    %broadcast_in_dim3A_400 = vector.broadcast %jit3A_399 : i32 to vector<256x1xi32>
    %select_n3A_401 = arith.select %eq3A_398, %add3A_96, %broadcast_in_dim3A_400 : vector<256x1xi1>, vector<256x1xi32>
    %eq3A_402 = arith.cmpf oeq, %select_n3A_330, %max3A_357 : vector<256x1xf32>
    %jit3A_403 = arith.constant 1073741824 : i32
    %broadcast_in_dim3A_404 = vector.broadcast %jit3A_403 : i32 to vector<256x1xi32>
    %select_n3A_405 = arith.select %eq3A_402, %add3A_108, %broadcast_in_dim3A_404 : vector<256x1xi1>, vector<256x1xi32>
    %eq3A_406 = arith.cmpf oeq, %select_n3A_333, %max3A_357 : vector<256x1xf32>
    %jit3A_407 = arith.constant 1073741824 : i32
    %broadcast_in_dim3A_408 = vector.broadcast %jit3A_407 : i32 to vector<256x1xi32>
    %select_n3A_409 = arith.select %eq3A_406, %add3A_120, %broadcast_in_dim3A_408 : vector<256x1xi1>, vector<256x1xi32>
    %eq3A_410 = arith.cmpf oeq, %select_n3A_336, %max3A_357 : vector<256x1xf32>
    %jit3A_411 = arith.constant 1073741824 : i32
    %broadcast_in_dim3A_412 = vector.broadcast %jit3A_411 : i32 to vector<256x1xi32>
    %select_n3A_413 = arith.select %eq3A_410, %add3A_132, %broadcast_in_dim3A_412 : vector<256x1xi1>, vector<256x1xi32>
    %eq3A_414 = arith.cmpf oeq, %select_n3A_339, %max3A_357 : vector<256x1xf32>
    %jit3A_415 = arith.constant 1073741824 : i32
    %broadcast_in_dim3A_416 = vector.broadcast %jit3A_415 : i32 to vector<256x1xi32>
    %select_n3A_417 = arith.select %eq3A_414, %add3A_144, %broadcast_in_dim3A_416 : vector<256x1xi1>, vector<256x1xi32>
    %eq3A_418 = arith.cmpf oeq, %select_n3A_342, %max3A_357 : vector<256x1xf32>
    %jit3A_419 = arith.constant 1073741824 : i32
    %broadcast_in_dim3A_420 = vector.broadcast %jit3A_419 : i32 to vector<256x1xi32>
    %select_n3A_421 = arith.select %eq3A_418, %add3A_154, %broadcast_in_dim3A_420 : vector<256x1xi1>, vector<256x1xi32>
    %min3A_422 = arith.minsi %select_n3A_361, %select_n3A_365 : vector<256x1xi32>
    %min3A_423 = arith.minsi %min3A_422, %select_n3A_369 : vector<256x1xi32>
    %min3A_424 = arith.minsi %min3A_423, %select_n3A_373 : vector<256x1xi32>
    %min3A_425 = arith.minsi %min3A_424, %select_n3A_377 : vector<256x1xi32>
    %min3A_426 = arith.minsi %min3A_425, %select_n3A_381 : vector<256x1xi32>
    %min3A_427 = arith.minsi %min3A_426, %select_n3A_385 : vector<256x1xi32>
    %min3A_428 = arith.minsi %min3A_427, %select_n3A_389 : vector<256x1xi32>
    %min3A_429 = arith.minsi %min3A_428, %select_n3A_393 : vector<256x1xi32>
    %min3A_430 = arith.minsi %min3A_429, %select_n3A_397 : vector<256x1xi32>
    %min3A_431 = arith.minsi %min3A_430, %select_n3A_401 : vector<256x1xi32>
    %min3A_432 = arith.minsi %min3A_431, %select_n3A_405 : vector<256x1xi32>
    %min3A_433 = arith.minsi %min3A_432, %select_n3A_409 : vector<256x1xi32>
    %min3A_434 = arith.minsi %min3A_433, %select_n3A_413 : vector<256x1xi32>
    %min3A_435 = arith.minsi %min3A_434, %select_n3A_417 : vector<256x1xi32>
    %min3A_436 = arith.minsi %min3A_435, %select_n3A_421 : vector<256x1xi32>
    %eq3A_437 = arith.cmpf oeq, %select_n3A_297, %max3A_357 : vector<256x1xf32>
    %eq3A_438 = arith.cmpi eq, %get3A_47, %min3A_436 : vector<256x1xi32>
    %and3A_439 = arith.andi %eq3A_437, %eq3A_438 : vector<256x1xi1>
    %eq3A_440 = arith.cmpf oeq, %select_n3A_300, %max3A_357 : vector<256x1xf32>
    %eq3A_441 = arith.cmpi eq, %get3A_50, %min3A_436 : vector<256x1xi32>
    %and3A_442 = arith.andi %eq3A_440, %eq3A_441 : vector<256x1xi1>
    %eq3A_443 = arith.cmpf oeq, %select_n3A_303, %max3A_357 : vector<256x1xf32>
    %eq3A_444 = arith.cmpi eq, %get3A_53, %min3A_436 : vector<256x1xi32>
    %and3A_445 = arith.andi %eq3A_443, %eq3A_444 : vector<256x1xi1>
    %eq3A_446 = arith.cmpf oeq, %select_n3A_306, %max3A_357 : vector<256x1xf32>
    %eq3A_447 = arith.cmpi eq, %get3A_56, %min3A_436 : vector<256x1xi32>
    %and3A_448 = arith.andi %eq3A_446, %eq3A_447 : vector<256x1xi1>
    %eq3A_449 = arith.cmpf oeq, %select_n3A_309, %max3A_357 : vector<256x1xf32>
    %eq3A_450 = arith.cmpi eq, %get3A_59, %min3A_436 : vector<256x1xi32>
    %and3A_451 = arith.andi %eq3A_449, %eq3A_450 : vector<256x1xi1>
    %eq3A_452 = arith.cmpf oeq, %select_n3A_312, %max3A_357 : vector<256x1xf32>
    %eq3A_453 = arith.cmpi eq, %get3A_62, %min3A_436 : vector<256x1xi32>
    %and3A_454 = arith.andi %eq3A_452, %eq3A_453 : vector<256x1xi1>
    %eq3A_455 = arith.cmpf oeq, %select_n3A_315, %max3A_357 : vector<256x1xf32>
    %eq3A_456 = arith.cmpi eq, %get3A_65, %min3A_436 : vector<256x1xi32>
    %and3A_457 = arith.andi %eq3A_455, %eq3A_456 : vector<256x1xi1>
    %eq3A_458 = arith.cmpf oeq, %select_n3A_318, %max3A_357 : vector<256x1xf32>
    %eq3A_459 = arith.cmpi eq, %get3A_68, %min3A_436 : vector<256x1xi32>
    %and3A_460 = arith.andi %eq3A_458, %eq3A_459 : vector<256x1xi1>
    %eq3A_461 = arith.cmpf oeq, %select_n3A_321, %max3A_357 : vector<256x1xf32>
    %eq3A_462 = arith.cmpi eq, %add3A_74, %min3A_436 : vector<256x1xi32>
    %and3A_463 = arith.andi %eq3A_461, %eq3A_462 : vector<256x1xi1>
    %eq3A_464 = arith.cmpf oeq, %select_n3A_324, %max3A_357 : vector<256x1xf32>
    %eq3A_465 = arith.cmpi eq, %add3A_84, %min3A_436 : vector<256x1xi32>
    %and3A_466 = arith.andi %eq3A_464, %eq3A_465 : vector<256x1xi1>
    %eq3A_467 = arith.cmpf oeq, %select_n3A_327, %max3A_357 : vector<256x1xf32>
    %eq3A_468 = arith.cmpi eq, %add3A_96, %min3A_436 : vector<256x1xi32>
    %and3A_469 = arith.andi %eq3A_467, %eq3A_468 : vector<256x1xi1>
    %eq3A_470 = arith.cmpf oeq, %select_n3A_330, %max3A_357 : vector<256x1xf32>
    %eq3A_471 = arith.cmpi eq, %add3A_108, %min3A_436 : vector<256x1xi32>
    %and3A_472 = arith.andi %eq3A_470, %eq3A_471 : vector<256x1xi1>
    %eq3A_473 = arith.cmpf oeq, %select_n3A_333, %max3A_357 : vector<256x1xf32>
    %eq3A_474 = arith.cmpi eq, %add3A_120, %min3A_436 : vector<256x1xi32>
    %and3A_475 = arith.andi %eq3A_473, %eq3A_474 : vector<256x1xi1>
    %eq3A_476 = arith.cmpf oeq, %select_n3A_336, %max3A_357 : vector<256x1xf32>
    %eq3A_477 = arith.cmpi eq, %add3A_132, %min3A_436 : vector<256x1xi32>
    %and3A_478 = arith.andi %eq3A_476, %eq3A_477 : vector<256x1xi1>
    %eq3A_479 = arith.cmpf oeq, %select_n3A_339, %max3A_357 : vector<256x1xf32>
    %eq3A_480 = arith.cmpi eq, %add3A_144, %min3A_436 : vector<256x1xi32>
    %and3A_481 = arith.andi %eq3A_479, %eq3A_480 : vector<256x1xi1>
    %eq3A_482 = arith.cmpf oeq, %select_n3A_342, %max3A_357 : vector<256x1xf32>
    %eq3A_483 = arith.cmpi eq, %add3A_154, %min3A_436 : vector<256x1xi32>
    %and3A_484 = arith.andi %eq3A_482, %eq3A_483 : vector<256x1xi1>
    %jit3A_485 = arith.constant 0xFF800000 : f32
    %broadcast_in_dim3A_486 = vector.broadcast %jit3A_485 : f32 to vector<256x1xf32>
    %select_n3A_487 = arith.select %and3A_439, %broadcast_in_dim3A_486, %select_n3A_297 : vector<256x1xi1>, vector<256x1xf32>
    %jit3A_488 = arith.constant 0xFF800000 : f32
    %broadcast_in_dim3A_489 = vector.broadcast %jit3A_488 : f32 to vector<256x1xf32>
    %select_n3A_490 = arith.select %and3A_442, %broadcast_in_dim3A_489, %select_n3A_300 : vector<256x1xi1>, vector<256x1xf32>
    %jit3A_491 = arith.constant 0xFF800000 : f32
    %broadcast_in_dim3A_492 = vector.broadcast %jit3A_491 : f32 to vector<256x1xf32>
    %select_n3A_493 = arith.select %and3A_445, %broadcast_in_dim3A_492, %select_n3A_303 : vector<256x1xi1>, vector<256x1xf32>
    %jit3A_494 = arith.constant 0xFF800000 : f32
    %broadcast_in_dim3A_495 = vector.broadcast %jit3A_494 : f32 to vector<256x1xf32>
    %select_n3A_496 = arith.select %and3A_448, %broadcast_in_dim3A_495, %select_n3A_306 : vector<256x1xi1>, vector<256x1xf32>
    %jit3A_497 = arith.constant 0xFF800000 : f32
    %broadcast_in_dim3A_498 = vector.broadcast %jit3A_497 : f32 to vector<256x1xf32>
    %select_n3A_499 = arith.select %and3A_451, %broadcast_in_dim3A_498, %select_n3A_309 : vector<256x1xi1>, vector<256x1xf32>
    %jit3A_500 = arith.constant 0xFF800000 : f32
    %broadcast_in_dim3A_501 = vector.broadcast %jit3A_500 : f32 to vector<256x1xf32>
    %select_n3A_502 = arith.select %and3A_454, %broadcast_in_dim3A_501, %select_n3A_312 : vector<256x1xi1>, vector<256x1xf32>
    %jit3A_503 = arith.constant 0xFF800000 : f32
    %broadcast_in_dim3A_504 = vector.broadcast %jit3A_503 : f32 to vector<256x1xf32>
    %select_n3A_505 = arith.select %and3A_457, %broadcast_in_dim3A_504, %select_n3A_315 : vector<256x1xi1>, vector<256x1xf32>
    %jit3A_506 = arith.constant 0xFF800000 : f32
    %broadcast_in_dim3A_507 = vector.broadcast %jit3A_506 : f32 to vector<256x1xf32>
    %select_n3A_508 = arith.select %and3A_460, %broadcast_in_dim3A_507, %select_n3A_318 : vector<256x1xi1>, vector<256x1xf32>
    %jit3A_509 = arith.constant 0xFF800000 : f32
    %broadcast_in_dim3A_510 = vector.broadcast %jit3A_509 : f32 to vector<256x1xf32>
    %select_n3A_511 = arith.select %and3A_463, %broadcast_in_dim3A_510, %select_n3A_321 : vector<256x1xi1>, vector<256x1xf32>
    %jit3A_512 = arith.constant 0xFF800000 : f32
    %broadcast_in_dim3A_513 = vector.broadcast %jit3A_512 : f32 to vector<256x1xf32>
    %select_n3A_514 = arith.select %and3A_466, %broadcast_in_dim3A_513, %select_n3A_324 : vector<256x1xi1>, vector<256x1xf32>
    %jit3A_515 = arith.constant 0xFF800000 : f32
    %broadcast_in_dim3A_516 = vector.broadcast %jit3A_515 : f32 to vector<256x1xf32>
    %select_n3A_517 = arith.select %and3A_469, %broadcast_in_dim3A_516, %select_n3A_327 : vector<256x1xi1>, vector<256x1xf32>
    %jit3A_518 = arith.constant 0xFF800000 : f32
    %broadcast_in_dim3A_519 = vector.broadcast %jit3A_518 : f32 to vector<256x1xf32>
    %select_n3A_520 = arith.select %and3A_472, %broadcast_in_dim3A_519, %select_n3A_330 : vector<256x1xi1>, vector<256x1xf32>
    %jit3A_521 = arith.constant 0xFF800000 : f32
    %broadcast_in_dim3A_522 = vector.broadcast %jit3A_521 : f32 to vector<256x1xf32>
    %select_n3A_523 = arith.select %and3A_475, %broadcast_in_dim3A_522, %select_n3A_333 : vector<256x1xi1>, vector<256x1xf32>
    %jit3A_524 = arith.constant 0xFF800000 : f32
    %broadcast_in_dim3A_525 = vector.broadcast %jit3A_524 : f32 to vector<256x1xf32>
    %select_n3A_526 = arith.select %and3A_478, %broadcast_in_dim3A_525, %select_n3A_336 : vector<256x1xi1>, vector<256x1xf32>
    %jit3A_527 = arith.constant 0xFF800000 : f32
    %broadcast_in_dim3A_528 = vector.broadcast %jit3A_527 : f32 to vector<256x1xf32>
    %select_n3A_529 = arith.select %and3A_481, %broadcast_in_dim3A_528, %select_n3A_339 : vector<256x1xi1>, vector<256x1xf32>
    %jit3A_530 = arith.constant 0xFF800000 : f32
    %broadcast_in_dim3A_531 = vector.broadcast %jit3A_530 : f32 to vector<256x1xf32>
    %select_n3A_532 = arith.select %and3A_484, %broadcast_in_dim3A_531, %select_n3A_342 : vector<256x1xi1>, vector<256x1xf32>
    %max3A_533 = arith.maximumf %select_n3A_487, %select_n3A_490 : vector<256x1xf32>
    %max3A_534 = arith.maximumf %max3A_533, %select_n3A_493 : vector<256x1xf32>
    %max3A_535 = arith.maximumf %max3A_534, %select_n3A_496 : vector<256x1xf32>
    %max3A_536 = arith.maximumf %max3A_535, %select_n3A_499 : vector<256x1xf32>
    %max3A_537 = arith.maximumf %max3A_536, %select_n3A_502 : vector<256x1xf32>
    %max3A_538 = arith.maximumf %max3A_537, %select_n3A_505 : vector<256x1xf32>
    %max3A_539 = arith.maximumf %max3A_538, %select_n3A_508 : vector<256x1xf32>
    %max3A_540 = arith.maximumf %max3A_539, %select_n3A_511 : vector<256x1xf32>
    %max3A_541 = arith.maximumf %max3A_540, %select_n3A_514 : vector<256x1xf32>
    %max3A_542 = arith.maximumf %max3A_541, %select_n3A_517 : vector<256x1xf32>
    %max3A_543 = arith.maximumf %max3A_542, %select_n3A_520 : vector<256x1xf32>
    %max3A_544 = arith.maximumf %max3A_543, %select_n3A_523 : vector<256x1xf32>
    %max3A_545 = arith.maximumf %max3A_544, %select_n3A_526 : vector<256x1xf32>
    %max3A_546 = arith.maximumf %max3A_545, %select_n3A_529 : vector<256x1xf32>
    %max3A_547 = arith.maximumf %max3A_546, %select_n3A_532 : vector<256x1xf32>
    %eq3A_548 = arith.cmpf oeq, %select_n3A_487, %max3A_547 : vector<256x1xf32>
    %jit3A_549 = arith.constant 1073741824 : i32
    %broadcast_in_dim3A_550 = vector.broadcast %jit3A_549 : i32 to vector<256x1xi32>
    %select_n3A_551 = arith.select %eq3A_548, %get3A_47, %broadcast_in_dim3A_550 : vector<256x1xi1>, vector<256x1xi32>
    %eq3A_552 = arith.cmpf oeq, %select_n3A_490, %max3A_547 : vector<256x1xf32>
    %jit3A_553 = arith.constant 1073741824 : i32
    %broadcast_in_dim3A_554 = vector.broadcast %jit3A_553 : i32 to vector<256x1xi32>
    %select_n3A_555 = arith.select %eq3A_552, %get3A_50, %broadcast_in_dim3A_554 : vector<256x1xi1>, vector<256x1xi32>
    %eq3A_556 = arith.cmpf oeq, %select_n3A_493, %max3A_547 : vector<256x1xf32>
    %jit3A_557 = arith.constant 1073741824 : i32
    %broadcast_in_dim3A_558 = vector.broadcast %jit3A_557 : i32 to vector<256x1xi32>
    %select_n3A_559 = arith.select %eq3A_556, %get3A_53, %broadcast_in_dim3A_558 : vector<256x1xi1>, vector<256x1xi32>
    %eq3A_560 = arith.cmpf oeq, %select_n3A_496, %max3A_547 : vector<256x1xf32>
    %jit3A_561 = arith.constant 1073741824 : i32
    %broadcast_in_dim3A_562 = vector.broadcast %jit3A_561 : i32 to vector<256x1xi32>
    %select_n3A_563 = arith.select %eq3A_560, %get3A_56, %broadcast_in_dim3A_562 : vector<256x1xi1>, vector<256x1xi32>
    %eq3A_564 = arith.cmpf oeq, %select_n3A_499, %max3A_547 : vector<256x1xf32>
    %jit3A_565 = arith.constant 1073741824 : i32
    %broadcast_in_dim3A_566 = vector.broadcast %jit3A_565 : i32 to vector<256x1xi32>
    %select_n3A_567 = arith.select %eq3A_564, %get3A_59, %broadcast_in_dim3A_566 : vector<256x1xi1>, vector<256x1xi32>
    %eq3A_568 = arith.cmpf oeq, %select_n3A_502, %max3A_547 : vector<256x1xf32>
    %jit3A_569 = arith.constant 1073741824 : i32
    %broadcast_in_dim3A_570 = vector.broadcast %jit3A_569 : i32 to vector<256x1xi32>
    %select_n3A_571 = arith.select %eq3A_568, %get3A_62, %broadcast_in_dim3A_570 : vector<256x1xi1>, vector<256x1xi32>
    %eq3A_572 = arith.cmpf oeq, %select_n3A_505, %max3A_547 : vector<256x1xf32>
    %jit3A_573 = arith.constant 1073741824 : i32
    %broadcast_in_dim3A_574 = vector.broadcast %jit3A_573 : i32 to vector<256x1xi32>
    %select_n3A_575 = arith.select %eq3A_572, %get3A_65, %broadcast_in_dim3A_574 : vector<256x1xi1>, vector<256x1xi32>
    %eq3A_576 = arith.cmpf oeq, %select_n3A_508, %max3A_547 : vector<256x1xf32>
    %jit3A_577 = arith.constant 1073741824 : i32
    %broadcast_in_dim3A_578 = vector.broadcast %jit3A_577 : i32 to vector<256x1xi32>
    %select_n3A_579 = arith.select %eq3A_576, %get3A_68, %broadcast_in_dim3A_578 : vector<256x1xi1>, vector<256x1xi32>
    %eq3A_580 = arith.cmpf oeq, %select_n3A_511, %max3A_547 : vector<256x1xf32>
    %jit3A_581 = arith.constant 1073741824 : i32
    %broadcast_in_dim3A_582 = vector.broadcast %jit3A_581 : i32 to vector<256x1xi32>
    %select_n3A_583 = arith.select %eq3A_580, %add3A_74, %broadcast_in_dim3A_582 : vector<256x1xi1>, vector<256x1xi32>
    %eq3A_584 = arith.cmpf oeq, %select_n3A_514, %max3A_547 : vector<256x1xf32>
    %jit3A_585 = arith.constant 1073741824 : i32
    %broadcast_in_dim3A_586 = vector.broadcast %jit3A_585 : i32 to vector<256x1xi32>
    %select_n3A_587 = arith.select %eq3A_584, %add3A_84, %broadcast_in_dim3A_586 : vector<256x1xi1>, vector<256x1xi32>
    %eq3A_588 = arith.cmpf oeq, %select_n3A_517, %max3A_547 : vector<256x1xf32>
    %jit3A_589 = arith.constant 1073741824 : i32
    %broadcast_in_dim3A_590 = vector.broadcast %jit3A_589 : i32 to vector<256x1xi32>
    %select_n3A_591 = arith.select %eq3A_588, %add3A_96, %broadcast_in_dim3A_590 : vector<256x1xi1>, vector<256x1xi32>
    %eq3A_592 = arith.cmpf oeq, %select_n3A_520, %max3A_547 : vector<256x1xf32>
    %jit3A_593 = arith.constant 1073741824 : i32
    %broadcast_in_dim3A_594 = vector.broadcast %jit3A_593 : i32 to vector<256x1xi32>
    %select_n3A_595 = arith.select %eq3A_592, %add3A_108, %broadcast_in_dim3A_594 : vector<256x1xi1>, vector<256x1xi32>
    %eq3A_596 = arith.cmpf oeq, %select_n3A_523, %max3A_547 : vector<256x1xf32>
    %jit3A_597 = arith.constant 1073741824 : i32
    %broadcast_in_dim3A_598 = vector.broadcast %jit3A_597 : i32 to vector<256x1xi32>
    %select_n3A_599 = arith.select %eq3A_596, %add3A_120, %broadcast_in_dim3A_598 : vector<256x1xi1>, vector<256x1xi32>
    %eq3A_600 = arith.cmpf oeq, %select_n3A_526, %max3A_547 : vector<256x1xf32>
    %jit3A_601 = arith.constant 1073741824 : i32
    %broadcast_in_dim3A_602 = vector.broadcast %jit3A_601 : i32 to vector<256x1xi32>
    %select_n3A_603 = arith.select %eq3A_600, %add3A_132, %broadcast_in_dim3A_602 : vector<256x1xi1>, vector<256x1xi32>
    %eq3A_604 = arith.cmpf oeq, %select_n3A_529, %max3A_547 : vector<256x1xf32>
    %jit3A_605 = arith.constant 1073741824 : i32
    %broadcast_in_dim3A_606 = vector.broadcast %jit3A_605 : i32 to vector<256x1xi32>
    %select_n3A_607 = arith.select %eq3A_604, %add3A_144, %broadcast_in_dim3A_606 : vector<256x1xi1>, vector<256x1xi32>
    %eq3A_608 = arith.cmpf oeq, %select_n3A_532, %max3A_547 : vector<256x1xf32>
    %jit3A_609 = arith.constant 1073741824 : i32
    %broadcast_in_dim3A_610 = vector.broadcast %jit3A_609 : i32 to vector<256x1xi32>
    %select_n3A_611 = arith.select %eq3A_608, %add3A_154, %broadcast_in_dim3A_610 : vector<256x1xi1>, vector<256x1xi32>
    %min3A_612 = arith.minsi %select_n3A_551, %select_n3A_555 : vector<256x1xi32>
    %min3A_613 = arith.minsi %min3A_612, %select_n3A_559 : vector<256x1xi32>
    %min3A_614 = arith.minsi %min3A_613, %select_n3A_563 : vector<256x1xi32>
    %min3A_615 = arith.minsi %min3A_614, %select_n3A_567 : vector<256x1xi32>
    %min3A_616 = arith.minsi %min3A_615, %select_n3A_571 : vector<256x1xi32>
    %min3A_617 = arith.minsi %min3A_616, %select_n3A_575 : vector<256x1xi32>
    %min3A_618 = arith.minsi %min3A_617, %select_n3A_579 : vector<256x1xi32>
    %min3A_619 = arith.minsi %min3A_618, %select_n3A_583 : vector<256x1xi32>
    %min3A_620 = arith.minsi %min3A_619, %select_n3A_587 : vector<256x1xi32>
    %min3A_621 = arith.minsi %min3A_620, %select_n3A_591 : vector<256x1xi32>
    %min3A_622 = arith.minsi %min3A_621, %select_n3A_595 : vector<256x1xi32>
    %min3A_623 = arith.minsi %min3A_622, %select_n3A_599 : vector<256x1xi32>
    %min3A_624 = arith.minsi %min3A_623, %select_n3A_603 : vector<256x1xi32>
    %min3A_625 = arith.minsi %min3A_624, %select_n3A_607 : vector<256x1xi32>
    %min3A_626 = arith.minsi %min3A_625, %select_n3A_611 : vector<256x1xi32>
    %eq3A_627 = arith.cmpf oeq, %select_n3A_487, %max3A_547 : vector<256x1xf32>
    %eq3A_628 = arith.cmpi eq, %get3A_47, %min3A_626 : vector<256x1xi32>
    %and3A_629 = arith.andi %eq3A_627, %eq3A_628 : vector<256x1xi1>
    %eq3A_630 = arith.cmpf oeq, %select_n3A_490, %max3A_547 : vector<256x1xf32>
    %eq3A_631 = arith.cmpi eq, %get3A_50, %min3A_626 : vector<256x1xi32>
    %and3A_632 = arith.andi %eq3A_630, %eq3A_631 : vector<256x1xi1>
    %eq3A_633 = arith.cmpf oeq, %select_n3A_493, %max3A_547 : vector<256x1xf32>
    %eq3A_634 = arith.cmpi eq, %get3A_53, %min3A_626 : vector<256x1xi32>
    %and3A_635 = arith.andi %eq3A_633, %eq3A_634 : vector<256x1xi1>
    %eq3A_636 = arith.cmpf oeq, %select_n3A_496, %max3A_547 : vector<256x1xf32>
    %eq3A_637 = arith.cmpi eq, %get3A_56, %min3A_626 : vector<256x1xi32>
    %and3A_638 = arith.andi %eq3A_636, %eq3A_637 : vector<256x1xi1>
    %eq3A_639 = arith.cmpf oeq, %select_n3A_499, %max3A_547 : vector<256x1xf32>
    %eq3A_640 = arith.cmpi eq, %get3A_59, %min3A_626 : vector<256x1xi32>
    %and3A_641 = arith.andi %eq3A_639, %eq3A_640 : vector<256x1xi1>
    %eq3A_642 = arith.cmpf oeq, %select_n3A_502, %max3A_547 : vector<256x1xf32>
    %eq3A_643 = arith.cmpi eq, %get3A_62, %min3A_626 : vector<256x1xi32>
    %and3A_644 = arith.andi %eq3A_642, %eq3A_643 : vector<256x1xi1>
    %eq3A_645 = arith.cmpf oeq, %select_n3A_505, %max3A_547 : vector<256x1xf32>
    %eq3A_646 = arith.cmpi eq, %get3A_65, %min3A_626 : vector<256x1xi32>
    %and3A_647 = arith.andi %eq3A_645, %eq3A_646 : vector<256x1xi1>
    %eq3A_648 = arith.cmpf oeq, %select_n3A_508, %max3A_547 : vector<256x1xf32>
    %eq3A_649 = arith.cmpi eq, %get3A_68, %min3A_626 : vector<256x1xi32>
    %and3A_650 = arith.andi %eq3A_648, %eq3A_649 : vector<256x1xi1>
    %eq3A_651 = arith.cmpf oeq, %select_n3A_511, %max3A_547 : vector<256x1xf32>
    %eq3A_652 = arith.cmpi eq, %add3A_74, %min3A_626 : vector<256x1xi32>
    %and3A_653 = arith.andi %eq3A_651, %eq3A_652 : vector<256x1xi1>
    %eq3A_654 = arith.cmpf oeq, %select_n3A_514, %max3A_547 : vector<256x1xf32>
    %eq3A_655 = arith.cmpi eq, %add3A_84, %min3A_626 : vector<256x1xi32>
    %and3A_656 = arith.andi %eq3A_654, %eq3A_655 : vector<256x1xi1>
    %eq3A_657 = arith.cmpf oeq, %select_n3A_517, %max3A_547 : vector<256x1xf32>
    %eq3A_658 = arith.cmpi eq, %add3A_96, %min3A_626 : vector<256x1xi32>
    %and3A_659 = arith.andi %eq3A_657, %eq3A_658 : vector<256x1xi1>
    %eq3A_660 = arith.cmpf oeq, %select_n3A_520, %max3A_547 : vector<256x1xf32>
    %eq3A_661 = arith.cmpi eq, %add3A_108, %min3A_626 : vector<256x1xi32>
    %and3A_662 = arith.andi %eq3A_660, %eq3A_661 : vector<256x1xi1>
    %eq3A_663 = arith.cmpf oeq, %select_n3A_523, %max3A_547 : vector<256x1xf32>
    %eq3A_664 = arith.cmpi eq, %add3A_120, %min3A_626 : vector<256x1xi32>
    %and3A_665 = arith.andi %eq3A_663, %eq3A_664 : vector<256x1xi1>
    %eq3A_666 = arith.cmpf oeq, %select_n3A_526, %max3A_547 : vector<256x1xf32>
    %eq3A_667 = arith.cmpi eq, %add3A_132, %min3A_626 : vector<256x1xi32>
    %and3A_668 = arith.andi %eq3A_666, %eq3A_667 : vector<256x1xi1>
    %eq3A_669 = arith.cmpf oeq, %select_n3A_529, %max3A_547 : vector<256x1xf32>
    %eq3A_670 = arith.cmpi eq, %add3A_144, %min3A_626 : vector<256x1xi32>
    %and3A_671 = arith.andi %eq3A_669, %eq3A_670 : vector<256x1xi1>
    %eq3A_672 = arith.cmpf oeq, %select_n3A_532, %max3A_547 : vector<256x1xf32>
    %eq3A_673 = arith.cmpi eq, %add3A_154, %min3A_626 : vector<256x1xi32>
    %and3A_674 = arith.andi %eq3A_672, %eq3A_673 : vector<256x1xi1>
    %jit3A_675 = arith.constant 0xFF800000 : f32
    %broadcast_in_dim3A_676 = vector.broadcast %jit3A_675 : f32 to vector<256x1xf32>
    %select_n3A_677 = arith.select %and3A_629, %broadcast_in_dim3A_676, %select_n3A_487 : vector<256x1xi1>, vector<256x1xf32>
    %jit3A_678 = arith.constant 0xFF800000 : f32
    %broadcast_in_dim3A_679 = vector.broadcast %jit3A_678 : f32 to vector<256x1xf32>
    %select_n3A_680 = arith.select %and3A_632, %broadcast_in_dim3A_679, %select_n3A_490 : vector<256x1xi1>, vector<256x1xf32>
    %jit3A_681 = arith.constant 0xFF800000 : f32
    %broadcast_in_dim3A_682 = vector.broadcast %jit3A_681 : f32 to vector<256x1xf32>
    %select_n3A_683 = arith.select %and3A_635, %broadcast_in_dim3A_682, %select_n3A_493 : vector<256x1xi1>, vector<256x1xf32>
    %jit3A_684 = arith.constant 0xFF800000 : f32
    %broadcast_in_dim3A_685 = vector.broadcast %jit3A_684 : f32 to vector<256x1xf32>
    %select_n3A_686 = arith.select %and3A_638, %broadcast_in_dim3A_685, %select_n3A_496 : vector<256x1xi1>, vector<256x1xf32>
    %jit3A_687 = arith.constant 0xFF800000 : f32
    %broadcast_in_dim3A_688 = vector.broadcast %jit3A_687 : f32 to vector<256x1xf32>
    %select_n3A_689 = arith.select %and3A_641, %broadcast_in_dim3A_688, %select_n3A_499 : vector<256x1xi1>, vector<256x1xf32>
    %jit3A_690 = arith.constant 0xFF800000 : f32
    %broadcast_in_dim3A_691 = vector.broadcast %jit3A_690 : f32 to vector<256x1xf32>
    %select_n3A_692 = arith.select %and3A_644, %broadcast_in_dim3A_691, %select_n3A_502 : vector<256x1xi1>, vector<256x1xf32>
    %jit3A_693 = arith.constant 0xFF800000 : f32
    %broadcast_in_dim3A_694 = vector.broadcast %jit3A_693 : f32 to vector<256x1xf32>
    %select_n3A_695 = arith.select %and3A_647, %broadcast_in_dim3A_694, %select_n3A_505 : vector<256x1xi1>, vector<256x1xf32>
    %jit3A_696 = arith.constant 0xFF800000 : f32
    %broadcast_in_dim3A_697 = vector.broadcast %jit3A_696 : f32 to vector<256x1xf32>
    %select_n3A_698 = arith.select %and3A_650, %broadcast_in_dim3A_697, %select_n3A_508 : vector<256x1xi1>, vector<256x1xf32>
    %jit3A_699 = arith.constant 0xFF800000 : f32
    %broadcast_in_dim3A_700 = vector.broadcast %jit3A_699 : f32 to vector<256x1xf32>
    %select_n3A_701 = arith.select %and3A_653, %broadcast_in_dim3A_700, %select_n3A_511 : vector<256x1xi1>, vector<256x1xf32>
    %jit3A_702 = arith.constant 0xFF800000 : f32
    %broadcast_in_dim3A_703 = vector.broadcast %jit3A_702 : f32 to vector<256x1xf32>
    %select_n3A_704 = arith.select %and3A_656, %broadcast_in_dim3A_703, %select_n3A_514 : vector<256x1xi1>, vector<256x1xf32>
    %jit3A_705 = arith.constant 0xFF800000 : f32
    %broadcast_in_dim3A_706 = vector.broadcast %jit3A_705 : f32 to vector<256x1xf32>
    %select_n3A_707 = arith.select %and3A_659, %broadcast_in_dim3A_706, %select_n3A_517 : vector<256x1xi1>, vector<256x1xf32>
    %jit3A_708 = arith.constant 0xFF800000 : f32
    %broadcast_in_dim3A_709 = vector.broadcast %jit3A_708 : f32 to vector<256x1xf32>
    %select_n3A_710 = arith.select %and3A_662, %broadcast_in_dim3A_709, %select_n3A_520 : vector<256x1xi1>, vector<256x1xf32>
    %jit3A_711 = arith.constant 0xFF800000 : f32
    %broadcast_in_dim3A_712 = vector.broadcast %jit3A_711 : f32 to vector<256x1xf32>
    %select_n3A_713 = arith.select %and3A_665, %broadcast_in_dim3A_712, %select_n3A_523 : vector<256x1xi1>, vector<256x1xf32>
    %jit3A_714 = arith.constant 0xFF800000 : f32
    %broadcast_in_dim3A_715 = vector.broadcast %jit3A_714 : f32 to vector<256x1xf32>
    %select_n3A_716 = arith.select %and3A_668, %broadcast_in_dim3A_715, %select_n3A_526 : vector<256x1xi1>, vector<256x1xf32>
    %jit3A_717 = arith.constant 0xFF800000 : f32
    %broadcast_in_dim3A_718 = vector.broadcast %jit3A_717 : f32 to vector<256x1xf32>
    %select_n3A_719 = arith.select %and3A_671, %broadcast_in_dim3A_718, %select_n3A_529 : vector<256x1xi1>, vector<256x1xf32>
    %jit3A_720 = arith.constant 0xFF800000 : f32
    %broadcast_in_dim3A_721 = vector.broadcast %jit3A_720 : f32 to vector<256x1xf32>
    %select_n3A_722 = arith.select %and3A_674, %broadcast_in_dim3A_721, %select_n3A_532 : vector<256x1xi1>, vector<256x1xf32>
    %max3A_723 = arith.maximumf %select_n3A_677, %select_n3A_680 : vector<256x1xf32>
    %max3A_724 = arith.maximumf %max3A_723, %select_n3A_683 : vector<256x1xf32>
    %max3A_725 = arith.maximumf %max3A_724, %select_n3A_686 : vector<256x1xf32>
    %max3A_726 = arith.maximumf %max3A_725, %select_n3A_689 : vector<256x1xf32>
    %max3A_727 = arith.maximumf %max3A_726, %select_n3A_692 : vector<256x1xf32>
    %max3A_728 = arith.maximumf %max3A_727, %select_n3A_695 : vector<256x1xf32>
    %max3A_729 = arith.maximumf %max3A_728, %select_n3A_698 : vector<256x1xf32>
    %max3A_730 = arith.maximumf %max3A_729, %select_n3A_701 : vector<256x1xf32>
    %max3A_731 = arith.maximumf %max3A_730, %select_n3A_704 : vector<256x1xf32>
    %max3A_732 = arith.maximumf %max3A_731, %select_n3A_707 : vector<256x1xf32>
    %max3A_733 = arith.maximumf %max3A_732, %select_n3A_710 : vector<256x1xf32>
    %max3A_734 = arith.maximumf %max3A_733, %select_n3A_713 : vector<256x1xf32>
    %max3A_735 = arith.maximumf %max3A_734, %select_n3A_716 : vector<256x1xf32>
    %max3A_736 = arith.maximumf %max3A_735, %select_n3A_719 : vector<256x1xf32>
    %max3A_737 = arith.maximumf %max3A_736, %select_n3A_722 : vector<256x1xf32>
    %eq3A_738 = arith.cmpf oeq, %select_n3A_677, %max3A_737 : vector<256x1xf32>
    %jit3A_739 = arith.constant 1073741824 : i32
    %broadcast_in_dim3A_740 = vector.broadcast %jit3A_739 : i32 to vector<256x1xi32>
    %select_n3A_741 = arith.select %eq3A_738, %get3A_47, %broadcast_in_dim3A_740 : vector<256x1xi1>, vector<256x1xi32>
    %eq3A_742 = arith.cmpf oeq, %select_n3A_680, %max3A_737 : vector<256x1xf32>
    %jit3A_743 = arith.constant 1073741824 : i32
    %broadcast_in_dim3A_744 = vector.broadcast %jit3A_743 : i32 to vector<256x1xi32>
    %select_n3A_745 = arith.select %eq3A_742, %get3A_50, %broadcast_in_dim3A_744 : vector<256x1xi1>, vector<256x1xi32>
    %eq3A_746 = arith.cmpf oeq, %select_n3A_683, %max3A_737 : vector<256x1xf32>
    %jit3A_747 = arith.constant 1073741824 : i32
    %broadcast_in_dim3A_748 = vector.broadcast %jit3A_747 : i32 to vector<256x1xi32>
    %select_n3A_749 = arith.select %eq3A_746, %get3A_53, %broadcast_in_dim3A_748 : vector<256x1xi1>, vector<256x1xi32>
    %eq3A_750 = arith.cmpf oeq, %select_n3A_686, %max3A_737 : vector<256x1xf32>
    %jit3A_751 = arith.constant 1073741824 : i32
    %broadcast_in_dim3A_752 = vector.broadcast %jit3A_751 : i32 to vector<256x1xi32>
    %select_n3A_753 = arith.select %eq3A_750, %get3A_56, %broadcast_in_dim3A_752 : vector<256x1xi1>, vector<256x1xi32>
    %eq3A_754 = arith.cmpf oeq, %select_n3A_689, %max3A_737 : vector<256x1xf32>
    %jit3A_755 = arith.constant 1073741824 : i32
    %broadcast_in_dim3A_756 = vector.broadcast %jit3A_755 : i32 to vector<256x1xi32>
    %select_n3A_757 = arith.select %eq3A_754, %get3A_59, %broadcast_in_dim3A_756 : vector<256x1xi1>, vector<256x1xi32>
    %eq3A_758 = arith.cmpf oeq, %select_n3A_692, %max3A_737 : vector<256x1xf32>
    %jit3A_759 = arith.constant 1073741824 : i32
    %broadcast_in_dim3A_760 = vector.broadcast %jit3A_759 : i32 to vector<256x1xi32>
    %select_n3A_761 = arith.select %eq3A_758, %get3A_62, %broadcast_in_dim3A_760 : vector<256x1xi1>, vector<256x1xi32>
    %eq3A_762 = arith.cmpf oeq, %select_n3A_695, %max3A_737 : vector<256x1xf32>
    %jit3A_763 = arith.constant 1073741824 : i32
    %broadcast_in_dim3A_764 = vector.broadcast %jit3A_763 : i32 to vector<256x1xi32>
    %select_n3A_765 = arith.select %eq3A_762, %get3A_65, %broadcast_in_dim3A_764 : vector<256x1xi1>, vector<256x1xi32>
    %eq3A_766 = arith.cmpf oeq, %select_n3A_698, %max3A_737 : vector<256x1xf32>
    %jit3A_767 = arith.constant 1073741824 : i32
    %broadcast_in_dim3A_768 = vector.broadcast %jit3A_767 : i32 to vector<256x1xi32>
    %select_n3A_769 = arith.select %eq3A_766, %get3A_68, %broadcast_in_dim3A_768 : vector<256x1xi1>, vector<256x1xi32>
    %eq3A_770 = arith.cmpf oeq, %select_n3A_701, %max3A_737 : vector<256x1xf32>
    %jit3A_771 = arith.constant 1073741824 : i32
    %broadcast_in_dim3A_772 = vector.broadcast %jit3A_771 : i32 to vector<256x1xi32>
    %select_n3A_773 = arith.select %eq3A_770, %add3A_74, %broadcast_in_dim3A_772 : vector<256x1xi1>, vector<256x1xi32>
    %eq3A_774 = arith.cmpf oeq, %select_n3A_704, %max3A_737 : vector<256x1xf32>
    %jit3A_775 = arith.constant 1073741824 : i32
    %broadcast_in_dim3A_776 = vector.broadcast %jit3A_775 : i32 to vector<256x1xi32>
    %select_n3A_777 = arith.select %eq3A_774, %add3A_84, %broadcast_in_dim3A_776 : vector<256x1xi1>, vector<256x1xi32>
    %eq3A_778 = arith.cmpf oeq, %select_n3A_707, %max3A_737 : vector<256x1xf32>
    %jit3A_779 = arith.constant 1073741824 : i32
    %broadcast_in_dim3A_780 = vector.broadcast %jit3A_779 : i32 to vector<256x1xi32>
    %select_n3A_781 = arith.select %eq3A_778, %add3A_96, %broadcast_in_dim3A_780 : vector<256x1xi1>, vector<256x1xi32>
    %eq3A_782 = arith.cmpf oeq, %select_n3A_710, %max3A_737 : vector<256x1xf32>
    %jit3A_783 = arith.constant 1073741824 : i32
    %broadcast_in_dim3A_784 = vector.broadcast %jit3A_783 : i32 to vector<256x1xi32>
    %select_n3A_785 = arith.select %eq3A_782, %add3A_108, %broadcast_in_dim3A_784 : vector<256x1xi1>, vector<256x1xi32>
    %eq3A_786 = arith.cmpf oeq, %select_n3A_713, %max3A_737 : vector<256x1xf32>
    %jit3A_787 = arith.constant 1073741824 : i32
    %broadcast_in_dim3A_788 = vector.broadcast %jit3A_787 : i32 to vector<256x1xi32>
    %select_n3A_789 = arith.select %eq3A_786, %add3A_120, %broadcast_in_dim3A_788 : vector<256x1xi1>, vector<256x1xi32>
    %eq3A_790 = arith.cmpf oeq, %select_n3A_716, %max3A_737 : vector<256x1xf32>
    %jit3A_791 = arith.constant 1073741824 : i32
    %broadcast_in_dim3A_792 = vector.broadcast %jit3A_791 : i32 to vector<256x1xi32>
    %select_n3A_793 = arith.select %eq3A_790, %add3A_132, %broadcast_in_dim3A_792 : vector<256x1xi1>, vector<256x1xi32>
    %eq3A_794 = arith.cmpf oeq, %select_n3A_719, %max3A_737 : vector<256x1xf32>
    %jit3A_795 = arith.constant 1073741824 : i32
    %broadcast_in_dim3A_796 = vector.broadcast %jit3A_795 : i32 to vector<256x1xi32>
    %select_n3A_797 = arith.select %eq3A_794, %add3A_144, %broadcast_in_dim3A_796 : vector<256x1xi1>, vector<256x1xi32>
    %eq3A_798 = arith.cmpf oeq, %select_n3A_722, %max3A_737 : vector<256x1xf32>
    %jit3A_799 = arith.constant 1073741824 : i32
    %broadcast_in_dim3A_800 = vector.broadcast %jit3A_799 : i32 to vector<256x1xi32>
    %select_n3A_801 = arith.select %eq3A_798, %add3A_154, %broadcast_in_dim3A_800 : vector<256x1xi1>, vector<256x1xi32>
    %min3A_802 = arith.minsi %select_n3A_741, %select_n3A_745 : vector<256x1xi32>
    %min3A_803 = arith.minsi %min3A_802, %select_n3A_749 : vector<256x1xi32>
    %min3A_804 = arith.minsi %min3A_803, %select_n3A_753 : vector<256x1xi32>
    %min3A_805 = arith.minsi %min3A_804, %select_n3A_757 : vector<256x1xi32>
    %min3A_806 = arith.minsi %min3A_805, %select_n3A_761 : vector<256x1xi32>
    %min3A_807 = arith.minsi %min3A_806, %select_n3A_765 : vector<256x1xi32>
    %min3A_808 = arith.minsi %min3A_807, %select_n3A_769 : vector<256x1xi32>
    %min3A_809 = arith.minsi %min3A_808, %select_n3A_773 : vector<256x1xi32>
    %min3A_810 = arith.minsi %min3A_809, %select_n3A_777 : vector<256x1xi32>
    %min3A_811 = arith.minsi %min3A_810, %select_n3A_781 : vector<256x1xi32>
    %min3A_812 = arith.minsi %min3A_811, %select_n3A_785 : vector<256x1xi32>
    %min3A_813 = arith.minsi %min3A_812, %select_n3A_789 : vector<256x1xi32>
    %min3A_814 = arith.minsi %min3A_813, %select_n3A_793 : vector<256x1xi32>
    %min3A_815 = arith.minsi %min3A_814, %select_n3A_797 : vector<256x1xi32>
    %min3A_816 = arith.minsi %min3A_815, %select_n3A_801 : vector<256x1xi32>
    %eq3A_817 = arith.cmpf oeq, %select_n3A_677, %max3A_737 : vector<256x1xf32>
    %eq3A_818 = arith.cmpi eq, %get3A_47, %min3A_816 : vector<256x1xi32>
    %and3A_819 = arith.andi %eq3A_817, %eq3A_818 : vector<256x1xi1>
    %eq3A_820 = arith.cmpf oeq, %select_n3A_680, %max3A_737 : vector<256x1xf32>
    %eq3A_821 = arith.cmpi eq, %get3A_50, %min3A_816 : vector<256x1xi32>
    %and3A_822 = arith.andi %eq3A_820, %eq3A_821 : vector<256x1xi1>
    %eq3A_823 = arith.cmpf oeq, %select_n3A_683, %max3A_737 : vector<256x1xf32>
    %eq3A_824 = arith.cmpi eq, %get3A_53, %min3A_816 : vector<256x1xi32>
    %and3A_825 = arith.andi %eq3A_823, %eq3A_824 : vector<256x1xi1>
    %eq3A_826 = arith.cmpf oeq, %select_n3A_686, %max3A_737 : vector<256x1xf32>
    %eq3A_827 = arith.cmpi eq, %get3A_56, %min3A_816 : vector<256x1xi32>
    %and3A_828 = arith.andi %eq3A_826, %eq3A_827 : vector<256x1xi1>
    %eq3A_829 = arith.cmpf oeq, %select_n3A_689, %max3A_737 : vector<256x1xf32>
    %eq3A_830 = arith.cmpi eq, %get3A_59, %min3A_816 : vector<256x1xi32>
    %and3A_831 = arith.andi %eq3A_829, %eq3A_830 : vector<256x1xi1>
    %eq3A_832 = arith.cmpf oeq, %select_n3A_692, %max3A_737 : vector<256x1xf32>
    %eq3A_833 = arith.cmpi eq, %get3A_62, %min3A_816 : vector<256x1xi32>
    %and3A_834 = arith.andi %eq3A_832, %eq3A_833 : vector<256x1xi1>
    %eq3A_835 = arith.cmpf oeq, %select_n3A_695, %max3A_737 : vector<256x1xf32>
    %eq3A_836 = arith.cmpi eq, %get3A_65, %min3A_816 : vector<256x1xi32>
    %and3A_837 = arith.andi %eq3A_835, %eq3A_836 : vector<256x1xi1>
    %eq3A_838 = arith.cmpf oeq, %select_n3A_698, %max3A_737 : vector<256x1xf32>
    %eq3A_839 = arith.cmpi eq, %get3A_68, %min3A_816 : vector<256x1xi32>
    %and3A_840 = arith.andi %eq3A_838, %eq3A_839 : vector<256x1xi1>
    %eq3A_841 = arith.cmpf oeq, %select_n3A_701, %max3A_737 : vector<256x1xf32>
    %eq3A_842 = arith.cmpi eq, %add3A_74, %min3A_816 : vector<256x1xi32>
    %and3A_843 = arith.andi %eq3A_841, %eq3A_842 : vector<256x1xi1>
    %eq3A_844 = arith.cmpf oeq, %select_n3A_704, %max3A_737 : vector<256x1xf32>
    %eq3A_845 = arith.cmpi eq, %add3A_84, %min3A_816 : vector<256x1xi32>
    %and3A_846 = arith.andi %eq3A_844, %eq3A_845 : vector<256x1xi1>
    %eq3A_847 = arith.cmpf oeq, %select_n3A_707, %max3A_737 : vector<256x1xf32>
    %eq3A_848 = arith.cmpi eq, %add3A_96, %min3A_816 : vector<256x1xi32>
    %and3A_849 = arith.andi %eq3A_847, %eq3A_848 : vector<256x1xi1>
    %eq3A_850 = arith.cmpf oeq, %select_n3A_710, %max3A_737 : vector<256x1xf32>
    %eq3A_851 = arith.cmpi eq, %add3A_108, %min3A_816 : vector<256x1xi32>
    %and3A_852 = arith.andi %eq3A_850, %eq3A_851 : vector<256x1xi1>
    %eq3A_853 = arith.cmpf oeq, %select_n3A_713, %max3A_737 : vector<256x1xf32>
    %eq3A_854 = arith.cmpi eq, %add3A_120, %min3A_816 : vector<256x1xi32>
    %and3A_855 = arith.andi %eq3A_853, %eq3A_854 : vector<256x1xi1>
    %eq3A_856 = arith.cmpf oeq, %select_n3A_716, %max3A_737 : vector<256x1xf32>
    %eq3A_857 = arith.cmpi eq, %add3A_132, %min3A_816 : vector<256x1xi32>
    %and3A_858 = arith.andi %eq3A_856, %eq3A_857 : vector<256x1xi1>
    %eq3A_859 = arith.cmpf oeq, %select_n3A_719, %max3A_737 : vector<256x1xf32>
    %eq3A_860 = arith.cmpi eq, %add3A_144, %min3A_816 : vector<256x1xi32>
    %and3A_861 = arith.andi %eq3A_859, %eq3A_860 : vector<256x1xi1>
    %eq3A_862 = arith.cmpf oeq, %select_n3A_722, %max3A_737 : vector<256x1xf32>
    %eq3A_863 = arith.cmpi eq, %add3A_154, %min3A_816 : vector<256x1xi32>
    %and3A_864 = arith.andi %eq3A_862, %eq3A_863 : vector<256x1xi1>
    %jit3A_865 = arith.constant 0xFF800000 : f32
    %broadcast_in_dim3A_866 = vector.broadcast %jit3A_865 : f32 to vector<256x1xf32>
    %select_n3A_867 = arith.select %and3A_819, %broadcast_in_dim3A_866, %select_n3A_677 : vector<256x1xi1>, vector<256x1xf32>
    %jit3A_868 = arith.constant 0xFF800000 : f32
    %broadcast_in_dim3A_869 = vector.broadcast %jit3A_868 : f32 to vector<256x1xf32>
    %select_n3A_870 = arith.select %and3A_822, %broadcast_in_dim3A_869, %select_n3A_680 : vector<256x1xi1>, vector<256x1xf32>
    %jit3A_871 = arith.constant 0xFF800000 : f32
    %broadcast_in_dim3A_872 = vector.broadcast %jit3A_871 : f32 to vector<256x1xf32>
    %select_n3A_873 = arith.select %and3A_825, %broadcast_in_dim3A_872, %select_n3A_683 : vector<256x1xi1>, vector<256x1xf32>
    %jit3A_874 = arith.constant 0xFF800000 : f32
    %broadcast_in_dim3A_875 = vector.broadcast %jit3A_874 : f32 to vector<256x1xf32>
    %select_n3A_876 = arith.select %and3A_828, %broadcast_in_dim3A_875, %select_n3A_686 : vector<256x1xi1>, vector<256x1xf32>
    %jit3A_877 = arith.constant 0xFF800000 : f32
    %broadcast_in_dim3A_878 = vector.broadcast %jit3A_877 : f32 to vector<256x1xf32>
    %select_n3A_879 = arith.select %and3A_831, %broadcast_in_dim3A_878, %select_n3A_689 : vector<256x1xi1>, vector<256x1xf32>
    %jit3A_880 = arith.constant 0xFF800000 : f32
    %broadcast_in_dim3A_881 = vector.broadcast %jit3A_880 : f32 to vector<256x1xf32>
    %select_n3A_882 = arith.select %and3A_834, %broadcast_in_dim3A_881, %select_n3A_692 : vector<256x1xi1>, vector<256x1xf32>
    %jit3A_883 = arith.constant 0xFF800000 : f32
    %broadcast_in_dim3A_884 = vector.broadcast %jit3A_883 : f32 to vector<256x1xf32>
    %select_n3A_885 = arith.select %and3A_837, %broadcast_in_dim3A_884, %select_n3A_695 : vector<256x1xi1>, vector<256x1xf32>
    %jit3A_886 = arith.constant 0xFF800000 : f32
    %broadcast_in_dim3A_887 = vector.broadcast %jit3A_886 : f32 to vector<256x1xf32>
    %select_n3A_888 = arith.select %and3A_840, %broadcast_in_dim3A_887, %select_n3A_698 : vector<256x1xi1>, vector<256x1xf32>
    %jit3A_889 = arith.constant 0xFF800000 : f32
    %broadcast_in_dim3A_890 = vector.broadcast %jit3A_889 : f32 to vector<256x1xf32>
    %select_n3A_891 = arith.select %and3A_843, %broadcast_in_dim3A_890, %select_n3A_701 : vector<256x1xi1>, vector<256x1xf32>
    %jit3A_892 = arith.constant 0xFF800000 : f32
    %broadcast_in_dim3A_893 = vector.broadcast %jit3A_892 : f32 to vector<256x1xf32>
    %select_n3A_894 = arith.select %and3A_846, %broadcast_in_dim3A_893, %select_n3A_704 : vector<256x1xi1>, vector<256x1xf32>
    %jit3A_895 = arith.constant 0xFF800000 : f32
    %broadcast_in_dim3A_896 = vector.broadcast %jit3A_895 : f32 to vector<256x1xf32>
    %select_n3A_897 = arith.select %and3A_849, %broadcast_in_dim3A_896, %select_n3A_707 : vector<256x1xi1>, vector<256x1xf32>
    %jit3A_898 = arith.constant 0xFF800000 : f32
    %broadcast_in_dim3A_899 = vector.broadcast %jit3A_898 : f32 to vector<256x1xf32>
    %select_n3A_900 = arith.select %and3A_852, %broadcast_in_dim3A_899, %select_n3A_710 : vector<256x1xi1>, vector<256x1xf32>
    %jit3A_901 = arith.constant 0xFF800000 : f32
    %broadcast_in_dim3A_902 = vector.broadcast %jit3A_901 : f32 to vector<256x1xf32>
    %select_n3A_903 = arith.select %and3A_855, %broadcast_in_dim3A_902, %select_n3A_713 : vector<256x1xi1>, vector<256x1xf32>
    %jit3A_904 = arith.constant 0xFF800000 : f32
    %broadcast_in_dim3A_905 = vector.broadcast %jit3A_904 : f32 to vector<256x1xf32>
    %select_n3A_906 = arith.select %and3A_858, %broadcast_in_dim3A_905, %select_n3A_716 : vector<256x1xi1>, vector<256x1xf32>
    %jit3A_907 = arith.constant 0xFF800000 : f32
    %broadcast_in_dim3A_908 = vector.broadcast %jit3A_907 : f32 to vector<256x1xf32>
    %select_n3A_909 = arith.select %and3A_861, %broadcast_in_dim3A_908, %select_n3A_719 : vector<256x1xi1>, vector<256x1xf32>
    %jit3A_910 = arith.constant 0xFF800000 : f32
    %broadcast_in_dim3A_911 = vector.broadcast %jit3A_910 : f32 to vector<256x1xf32>
    %select_n3A_912 = arith.select %and3A_864, %broadcast_in_dim3A_911, %select_n3A_722 : vector<256x1xi1>, vector<256x1xf32>
    %max3A_913 = arith.maximumf %select_n3A_867, %select_n3A_870 : vector<256x1xf32>
    %max3A_914 = arith.maximumf %max3A_913, %select_n3A_873 : vector<256x1xf32>
    %max3A_915 = arith.maximumf %max3A_914, %select_n3A_876 : vector<256x1xf32>
    %max3A_916 = arith.maximumf %max3A_915, %select_n3A_879 : vector<256x1xf32>
    %max3A_917 = arith.maximumf %max3A_916, %select_n3A_882 : vector<256x1xf32>
    %max3A_918 = arith.maximumf %max3A_917, %select_n3A_885 : vector<256x1xf32>
    %max3A_919 = arith.maximumf %max3A_918, %select_n3A_888 : vector<256x1xf32>
    %max3A_920 = arith.maximumf %max3A_919, %select_n3A_891 : vector<256x1xf32>
    %max3A_921 = arith.maximumf %max3A_920, %select_n3A_894 : vector<256x1xf32>
    %max3A_922 = arith.maximumf %max3A_921, %select_n3A_897 : vector<256x1xf32>
    %max3A_923 = arith.maximumf %max3A_922, %select_n3A_900 : vector<256x1xf32>
    %max3A_924 = arith.maximumf %max3A_923, %select_n3A_903 : vector<256x1xf32>
    %max3A_925 = arith.maximumf %max3A_924, %select_n3A_906 : vector<256x1xf32>
    %max3A_926 = arith.maximumf %max3A_925, %select_n3A_909 : vector<256x1xf32>
    %max3A_927 = arith.maximumf %max3A_926, %select_n3A_912 : vector<256x1xf32>
    %eq3A_928 = arith.cmpf oeq, %select_n3A_867, %max3A_927 : vector<256x1xf32>
    %jit3A_929 = arith.constant 1073741824 : i32
    %broadcast_in_dim3A_930 = vector.broadcast %jit3A_929 : i32 to vector<256x1xi32>
    %select_n3A_931 = arith.select %eq3A_928, %get3A_47, %broadcast_in_dim3A_930 : vector<256x1xi1>, vector<256x1xi32>
    %eq3A_932 = arith.cmpf oeq, %select_n3A_870, %max3A_927 : vector<256x1xf32>
    %jit3A_933 = arith.constant 1073741824 : i32
    %broadcast_in_dim3A_934 = vector.broadcast %jit3A_933 : i32 to vector<256x1xi32>
    %select_n3A_935 = arith.select %eq3A_932, %get3A_50, %broadcast_in_dim3A_934 : vector<256x1xi1>, vector<256x1xi32>
    %eq3A_936 = arith.cmpf oeq, %select_n3A_873, %max3A_927 : vector<256x1xf32>
    %jit3A_937 = arith.constant 1073741824 : i32
    %broadcast_in_dim3A_938 = vector.broadcast %jit3A_937 : i32 to vector<256x1xi32>
    %select_n3A_939 = arith.select %eq3A_936, %get3A_53, %broadcast_in_dim3A_938 : vector<256x1xi1>, vector<256x1xi32>
    %eq3A_940 = arith.cmpf oeq, %select_n3A_876, %max3A_927 : vector<256x1xf32>
    %jit3A_941 = arith.constant 1073741824 : i32
    %broadcast_in_dim3A_942 = vector.broadcast %jit3A_941 : i32 to vector<256x1xi32>
    %select_n3A_943 = arith.select %eq3A_940, %get3A_56, %broadcast_in_dim3A_942 : vector<256x1xi1>, vector<256x1xi32>
    %eq3A_944 = arith.cmpf oeq, %select_n3A_879, %max3A_927 : vector<256x1xf32>
    %jit3A_945 = arith.constant 1073741824 : i32
    %broadcast_in_dim3A_946 = vector.broadcast %jit3A_945 : i32 to vector<256x1xi32>
    %select_n3A_947 = arith.select %eq3A_944, %get3A_59, %broadcast_in_dim3A_946 : vector<256x1xi1>, vector<256x1xi32>
    %eq3A_948 = arith.cmpf oeq, %select_n3A_882, %max3A_927 : vector<256x1xf32>
    %jit3A_949 = arith.constant 1073741824 : i32
    %broadcast_in_dim3A_950 = vector.broadcast %jit3A_949 : i32 to vector<256x1xi32>
    %select_n3A_951 = arith.select %eq3A_948, %get3A_62, %broadcast_in_dim3A_950 : vector<256x1xi1>, vector<256x1xi32>
    %eq3A_952 = arith.cmpf oeq, %select_n3A_885, %max3A_927 : vector<256x1xf32>
    %jit3A_953 = arith.constant 1073741824 : i32
    %broadcast_in_dim3A_954 = vector.broadcast %jit3A_953 : i32 to vector<256x1xi32>
    %select_n3A_955 = arith.select %eq3A_952, %get3A_65, %broadcast_in_dim3A_954 : vector<256x1xi1>, vector<256x1xi32>
    %eq3A_956 = arith.cmpf oeq, %select_n3A_888, %max3A_927 : vector<256x1xf32>
    %jit3A_957 = arith.constant 1073741824 : i32
    %broadcast_in_dim3A_958 = vector.broadcast %jit3A_957 : i32 to vector<256x1xi32>
    %select_n3A_959 = arith.select %eq3A_956, %get3A_68, %broadcast_in_dim3A_958 : vector<256x1xi1>, vector<256x1xi32>
    %eq3A_960 = arith.cmpf oeq, %select_n3A_891, %max3A_927 : vector<256x1xf32>
    %jit3A_961 = arith.constant 1073741824 : i32
    %broadcast_in_dim3A_962 = vector.broadcast %jit3A_961 : i32 to vector<256x1xi32>
    %select_n3A_963 = arith.select %eq3A_960, %add3A_74, %broadcast_in_dim3A_962 : vector<256x1xi1>, vector<256x1xi32>
    %eq3A_964 = arith.cmpf oeq, %select_n3A_894, %max3A_927 : vector<256x1xf32>
    %jit3A_965 = arith.constant 1073741824 : i32
    %broadcast_in_dim3A_966 = vector.broadcast %jit3A_965 : i32 to vector<256x1xi32>
    %select_n3A_967 = arith.select %eq3A_964, %add3A_84, %broadcast_in_dim3A_966 : vector<256x1xi1>, vector<256x1xi32>
    %eq3A_968 = arith.cmpf oeq, %select_n3A_897, %max3A_927 : vector<256x1xf32>
    %jit3A_969 = arith.constant 1073741824 : i32
    %broadcast_in_dim3A_970 = vector.broadcast %jit3A_969 : i32 to vector<256x1xi32>
    %select_n3A_971 = arith.select %eq3A_968, %add3A_96, %broadcast_in_dim3A_970 : vector<256x1xi1>, vector<256x1xi32>
    %eq3A_972 = arith.cmpf oeq, %select_n3A_900, %max3A_927 : vector<256x1xf32>
    %jit3A_973 = arith.constant 1073741824 : i32
    %broadcast_in_dim3A_974 = vector.broadcast %jit3A_973 : i32 to vector<256x1xi32>
    %select_n3A_975 = arith.select %eq3A_972, %add3A_108, %broadcast_in_dim3A_974 : vector<256x1xi1>, vector<256x1xi32>
    %eq3A_976 = arith.cmpf oeq, %select_n3A_903, %max3A_927 : vector<256x1xf32>
    %jit3A_977 = arith.constant 1073741824 : i32
    %broadcast_in_dim3A_978 = vector.broadcast %jit3A_977 : i32 to vector<256x1xi32>
    %select_n3A_979 = arith.select %eq3A_976, %add3A_120, %broadcast_in_dim3A_978 : vector<256x1xi1>, vector<256x1xi32>
    %eq3A_980 = arith.cmpf oeq, %select_n3A_906, %max3A_927 : vector<256x1xf32>
    %jit3A_981 = arith.constant 1073741824 : i32
    %broadcast_in_dim3A_982 = vector.broadcast %jit3A_981 : i32 to vector<256x1xi32>
    %select_n3A_983 = arith.select %eq3A_980, %add3A_132, %broadcast_in_dim3A_982 : vector<256x1xi1>, vector<256x1xi32>
    %eq3A_984 = arith.cmpf oeq, %select_n3A_909, %max3A_927 : vector<256x1xf32>
    %jit3A_985 = arith.constant 1073741824 : i32
    %broadcast_in_dim3A_986 = vector.broadcast %jit3A_985 : i32 to vector<256x1xi32>
    %select_n3A_987 = arith.select %eq3A_984, %add3A_144, %broadcast_in_dim3A_986 : vector<256x1xi1>, vector<256x1xi32>
    %eq3A_988 = arith.cmpf oeq, %select_n3A_912, %max3A_927 : vector<256x1xf32>
    %jit3A_989 = arith.constant 1073741824 : i32
    %broadcast_in_dim3A_990 = vector.broadcast %jit3A_989 : i32 to vector<256x1xi32>
    %select_n3A_991 = arith.select %eq3A_988, %add3A_154, %broadcast_in_dim3A_990 : vector<256x1xi1>, vector<256x1xi32>
    %min3A_992 = arith.minsi %select_n3A_931, %select_n3A_935 : vector<256x1xi32>
    %min3A_993 = arith.minsi %min3A_992, %select_n3A_939 : vector<256x1xi32>
    %min3A_994 = arith.minsi %min3A_993, %select_n3A_943 : vector<256x1xi32>
    %min3A_995 = arith.minsi %min3A_994, %select_n3A_947 : vector<256x1xi32>
    %min3A_996 = arith.minsi %min3A_995, %select_n3A_951 : vector<256x1xi32>
    %min3A_997 = arith.minsi %min3A_996, %select_n3A_955 : vector<256x1xi32>
    %min3A_998 = arith.minsi %min3A_997, %select_n3A_959 : vector<256x1xi32>
    %min3A_999 = arith.minsi %min3A_998, %select_n3A_963 : vector<256x1xi32>
    %min3A_1000 = arith.minsi %min3A_999, %select_n3A_967 : vector<256x1xi32>
    %min3A_1001 = arith.minsi %min3A_1000, %select_n3A_971 : vector<256x1xi32>
    %min3A_1002 = arith.minsi %min3A_1001, %select_n3A_975 : vector<256x1xi32>
    %min3A_1003 = arith.minsi %min3A_1002, %select_n3A_979 : vector<256x1xi32>
    %min3A_1004 = arith.minsi %min3A_1003, %select_n3A_983 : vector<256x1xi32>
    %min3A_1005 = arith.minsi %min3A_1004, %select_n3A_987 : vector<256x1xi32>
    %min3A_1006 = arith.minsi %min3A_1005, %select_n3A_991 : vector<256x1xi32>
    %eq3A_1007 = arith.cmpf oeq, %select_n3A_867, %max3A_927 : vector<256x1xf32>
    %eq3A_1008 = arith.cmpi eq, %get3A_47, %min3A_1006 : vector<256x1xi32>
    %and3A_1009 = arith.andi %eq3A_1007, %eq3A_1008 : vector<256x1xi1>
    %eq3A_1010 = arith.cmpf oeq, %select_n3A_870, %max3A_927 : vector<256x1xf32>
    %eq3A_1011 = arith.cmpi eq, %get3A_50, %min3A_1006 : vector<256x1xi32>
    %and3A_1012 = arith.andi %eq3A_1010, %eq3A_1011 : vector<256x1xi1>
    %eq3A_1013 = arith.cmpf oeq, %select_n3A_873, %max3A_927 : vector<256x1xf32>
    %eq3A_1014 = arith.cmpi eq, %get3A_53, %min3A_1006 : vector<256x1xi32>
    %and3A_1015 = arith.andi %eq3A_1013, %eq3A_1014 : vector<256x1xi1>
    %eq3A_1016 = arith.cmpf oeq, %select_n3A_876, %max3A_927 : vector<256x1xf32>
    %eq3A_1017 = arith.cmpi eq, %get3A_56, %min3A_1006 : vector<256x1xi32>
    %and3A_1018 = arith.andi %eq3A_1016, %eq3A_1017 : vector<256x1xi1>
    %eq3A_1019 = arith.cmpf oeq, %select_n3A_879, %max3A_927 : vector<256x1xf32>
    %eq3A_1020 = arith.cmpi eq, %get3A_59, %min3A_1006 : vector<256x1xi32>
    %and3A_1021 = arith.andi %eq3A_1019, %eq3A_1020 : vector<256x1xi1>
    %eq3A_1022 = arith.cmpf oeq, %select_n3A_882, %max3A_927 : vector<256x1xf32>
    %eq3A_1023 = arith.cmpi eq, %get3A_62, %min3A_1006 : vector<256x1xi32>
    %and3A_1024 = arith.andi %eq3A_1022, %eq3A_1023 : vector<256x1xi1>
    %eq3A_1025 = arith.cmpf oeq, %select_n3A_885, %max3A_927 : vector<256x1xf32>
    %eq3A_1026 = arith.cmpi eq, %get3A_65, %min3A_1006 : vector<256x1xi32>
    %and3A_1027 = arith.andi %eq3A_1025, %eq3A_1026 : vector<256x1xi1>
    %eq3A_1028 = arith.cmpf oeq, %select_n3A_888, %max3A_927 : vector<256x1xf32>
    %eq3A_1029 = arith.cmpi eq, %get3A_68, %min3A_1006 : vector<256x1xi32>
    %and3A_1030 = arith.andi %eq3A_1028, %eq3A_1029 : vector<256x1xi1>
    %eq3A_1031 = arith.cmpf oeq, %select_n3A_891, %max3A_927 : vector<256x1xf32>
    %eq3A_1032 = arith.cmpi eq, %add3A_74, %min3A_1006 : vector<256x1xi32>
    %and3A_1033 = arith.andi %eq3A_1031, %eq3A_1032 : vector<256x1xi1>
    %eq3A_1034 = arith.cmpf oeq, %select_n3A_894, %max3A_927 : vector<256x1xf32>
    %eq3A_1035 = arith.cmpi eq, %add3A_84, %min3A_1006 : vector<256x1xi32>
    %and3A_1036 = arith.andi %eq3A_1034, %eq3A_1035 : vector<256x1xi1>
    %eq3A_1037 = arith.cmpf oeq, %select_n3A_897, %max3A_927 : vector<256x1xf32>
    %eq3A_1038 = arith.cmpi eq, %add3A_96, %min3A_1006 : vector<256x1xi32>
    %and3A_1039 = arith.andi %eq3A_1037, %eq3A_1038 : vector<256x1xi1>
    %eq3A_1040 = arith.cmpf oeq, %select_n3A_900, %max3A_927 : vector<256x1xf32>
    %eq3A_1041 = arith.cmpi eq, %add3A_108, %min3A_1006 : vector<256x1xi32>
    %and3A_1042 = arith.andi %eq3A_1040, %eq3A_1041 : vector<256x1xi1>
    %eq3A_1043 = arith.cmpf oeq, %select_n3A_903, %max3A_927 : vector<256x1xf32>
    %eq3A_1044 = arith.cmpi eq, %add3A_120, %min3A_1006 : vector<256x1xi32>
    %and3A_1045 = arith.andi %eq3A_1043, %eq3A_1044 : vector<256x1xi1>
    %eq3A_1046 = arith.cmpf oeq, %select_n3A_906, %max3A_927 : vector<256x1xf32>
    %eq3A_1047 = arith.cmpi eq, %add3A_132, %min3A_1006 : vector<256x1xi32>
    %and3A_1048 = arith.andi %eq3A_1046, %eq3A_1047 : vector<256x1xi1>
    %eq3A_1049 = arith.cmpf oeq, %select_n3A_909, %max3A_927 : vector<256x1xf32>
    %eq3A_1050 = arith.cmpi eq, %add3A_144, %min3A_1006 : vector<256x1xi32>
    %and3A_1051 = arith.andi %eq3A_1049, %eq3A_1050 : vector<256x1xi1>
    %eq3A_1052 = arith.cmpf oeq, %select_n3A_912, %max3A_927 : vector<256x1xf32>
    %eq3A_1053 = arith.cmpi eq, %add3A_154, %min3A_1006 : vector<256x1xi32>
    %and3A_1054 = arith.andi %eq3A_1052, %eq3A_1053 : vector<256x1xi1>
    %jit3A_1055 = arith.constant 0xFF800000 : f32
    %broadcast_in_dim3A_1056 = vector.broadcast %jit3A_1055 : f32 to vector<256x1xf32>
    %select_n3A_1057 = arith.select %and3A_1009, %broadcast_in_dim3A_1056, %select_n3A_867 : vector<256x1xi1>, vector<256x1xf32>
    %jit3A_1058 = arith.constant 0xFF800000 : f32
    %broadcast_in_dim3A_1059 = vector.broadcast %jit3A_1058 : f32 to vector<256x1xf32>
    %select_n3A_1060 = arith.select %and3A_1012, %broadcast_in_dim3A_1059, %select_n3A_870 : vector<256x1xi1>, vector<256x1xf32>
    %jit3A_1061 = arith.constant 0xFF800000 : f32
    %broadcast_in_dim3A_1062 = vector.broadcast %jit3A_1061 : f32 to vector<256x1xf32>
    %select_n3A_1063 = arith.select %and3A_1015, %broadcast_in_dim3A_1062, %select_n3A_873 : vector<256x1xi1>, vector<256x1xf32>
    %jit3A_1064 = arith.constant 0xFF800000 : f32
    %broadcast_in_dim3A_1065 = vector.broadcast %jit3A_1064 : f32 to vector<256x1xf32>
    %select_n3A_1066 = arith.select %and3A_1018, %broadcast_in_dim3A_1065, %select_n3A_876 : vector<256x1xi1>, vector<256x1xf32>
    %jit3A_1067 = arith.constant 0xFF800000 : f32
    %broadcast_in_dim3A_1068 = vector.broadcast %jit3A_1067 : f32 to vector<256x1xf32>
    %select_n3A_1069 = arith.select %and3A_1021, %broadcast_in_dim3A_1068, %select_n3A_879 : vector<256x1xi1>, vector<256x1xf32>
    %jit3A_1070 = arith.constant 0xFF800000 : f32
    %broadcast_in_dim3A_1071 = vector.broadcast %jit3A_1070 : f32 to vector<256x1xf32>
    %select_n3A_1072 = arith.select %and3A_1024, %broadcast_in_dim3A_1071, %select_n3A_882 : vector<256x1xi1>, vector<256x1xf32>
    %jit3A_1073 = arith.constant 0xFF800000 : f32
    %broadcast_in_dim3A_1074 = vector.broadcast %jit3A_1073 : f32 to vector<256x1xf32>
    %select_n3A_1075 = arith.select %and3A_1027, %broadcast_in_dim3A_1074, %select_n3A_885 : vector<256x1xi1>, vector<256x1xf32>
    %jit3A_1076 = arith.constant 0xFF800000 : f32
    %broadcast_in_dim3A_1077 = vector.broadcast %jit3A_1076 : f32 to vector<256x1xf32>
    %select_n3A_1078 = arith.select %and3A_1030, %broadcast_in_dim3A_1077, %select_n3A_888 : vector<256x1xi1>, vector<256x1xf32>
    %jit3A_1079 = arith.constant 0xFF800000 : f32
    %broadcast_in_dim3A_1080 = vector.broadcast %jit3A_1079 : f32 to vector<256x1xf32>
    %select_n3A_1081 = arith.select %and3A_1033, %broadcast_in_dim3A_1080, %select_n3A_891 : vector<256x1xi1>, vector<256x1xf32>
    %jit3A_1082 = arith.constant 0xFF800000 : f32
    %broadcast_in_dim3A_1083 = vector.broadcast %jit3A_1082 : f32 to vector<256x1xf32>
    %select_n3A_1084 = arith.select %and3A_1036, %broadcast_in_dim3A_1083, %select_n3A_894 : vector<256x1xi1>, vector<256x1xf32>
    %jit3A_1085 = arith.constant 0xFF800000 : f32
    %broadcast_in_dim3A_1086 = vector.broadcast %jit3A_1085 : f32 to vector<256x1xf32>
    %select_n3A_1087 = arith.select %and3A_1039, %broadcast_in_dim3A_1086, %select_n3A_897 : vector<256x1xi1>, vector<256x1xf32>
    %jit3A_1088 = arith.constant 0xFF800000 : f32
    %broadcast_in_dim3A_1089 = vector.broadcast %jit3A_1088 : f32 to vector<256x1xf32>
    %select_n3A_1090 = arith.select %and3A_1042, %broadcast_in_dim3A_1089, %select_n3A_900 : vector<256x1xi1>, vector<256x1xf32>
    %jit3A_1091 = arith.constant 0xFF800000 : f32
    %broadcast_in_dim3A_1092 = vector.broadcast %jit3A_1091 : f32 to vector<256x1xf32>
    %select_n3A_1093 = arith.select %and3A_1045, %broadcast_in_dim3A_1092, %select_n3A_903 : vector<256x1xi1>, vector<256x1xf32>
    %jit3A_1094 = arith.constant 0xFF800000 : f32
    %broadcast_in_dim3A_1095 = vector.broadcast %jit3A_1094 : f32 to vector<256x1xf32>
    %select_n3A_1096 = arith.select %and3A_1048, %broadcast_in_dim3A_1095, %select_n3A_906 : vector<256x1xi1>, vector<256x1xf32>
    %jit3A_1097 = arith.constant 0xFF800000 : f32
    %broadcast_in_dim3A_1098 = vector.broadcast %jit3A_1097 : f32 to vector<256x1xf32>
    %select_n3A_1099 = arith.select %and3A_1051, %broadcast_in_dim3A_1098, %select_n3A_909 : vector<256x1xi1>, vector<256x1xf32>
    %jit3A_1100 = arith.constant 0xFF800000 : f32
    %broadcast_in_dim3A_1101 = vector.broadcast %jit3A_1100 : f32 to vector<256x1xf32>
    %select_n3A_1102 = arith.select %and3A_1054, %broadcast_in_dim3A_1101, %select_n3A_912 : vector<256x1xi1>, vector<256x1xf32>
    %max3A_1103 = arith.maximumf %select_n3A_1057, %select_n3A_1060 : vector<256x1xf32>
    %max3A_1104 = arith.maximumf %max3A_1103, %select_n3A_1063 : vector<256x1xf32>
    %max3A_1105 = arith.maximumf %max3A_1104, %select_n3A_1066 : vector<256x1xf32>
    %max3A_1106 = arith.maximumf %max3A_1105, %select_n3A_1069 : vector<256x1xf32>
    %max3A_1107 = arith.maximumf %max3A_1106, %select_n3A_1072 : vector<256x1xf32>
    %max3A_1108 = arith.maximumf %max3A_1107, %select_n3A_1075 : vector<256x1xf32>
    %max3A_1109 = arith.maximumf %max3A_1108, %select_n3A_1078 : vector<256x1xf32>
    %max3A_1110 = arith.maximumf %max3A_1109, %select_n3A_1081 : vector<256x1xf32>
    %max3A_1111 = arith.maximumf %max3A_1110, %select_n3A_1084 : vector<256x1xf32>
    %max3A_1112 = arith.maximumf %max3A_1111, %select_n3A_1087 : vector<256x1xf32>
    %max3A_1113 = arith.maximumf %max3A_1112, %select_n3A_1090 : vector<256x1xf32>
    %max3A_1114 = arith.maximumf %max3A_1113, %select_n3A_1093 : vector<256x1xf32>
    %max3A_1115 = arith.maximumf %max3A_1114, %select_n3A_1096 : vector<256x1xf32>
    %max3A_1116 = arith.maximumf %max3A_1115, %select_n3A_1099 : vector<256x1xf32>
    %max3A_1117 = arith.maximumf %max3A_1116, %select_n3A_1102 : vector<256x1xf32>
    %eq3A_1118 = arith.cmpf oeq, %select_n3A_1057, %max3A_1117 : vector<256x1xf32>
    %jit3A_1119 = arith.constant 1073741824 : i32
    %broadcast_in_dim3A_1120 = vector.broadcast %jit3A_1119 : i32 to vector<256x1xi32>
    %select_n3A_1121 = arith.select %eq3A_1118, %get3A_47, %broadcast_in_dim3A_1120 : vector<256x1xi1>, vector<256x1xi32>
    %eq3A_1122 = arith.cmpf oeq, %select_n3A_1060, %max3A_1117 : vector<256x1xf32>
    %jit3A_1123 = arith.constant 1073741824 : i32
    %broadcast_in_dim3A_1124 = vector.broadcast %jit3A_1123 : i32 to vector<256x1xi32>
    %select_n3A_1125 = arith.select %eq3A_1122, %get3A_50, %broadcast_in_dim3A_1124 : vector<256x1xi1>, vector<256x1xi32>
    %eq3A_1126 = arith.cmpf oeq, %select_n3A_1063, %max3A_1117 : vector<256x1xf32>
    %jit3A_1127 = arith.constant 1073741824 : i32
    %broadcast_in_dim3A_1128 = vector.broadcast %jit3A_1127 : i32 to vector<256x1xi32>
    %select_n3A_1129 = arith.select %eq3A_1126, %get3A_53, %broadcast_in_dim3A_1128 : vector<256x1xi1>, vector<256x1xi32>
    %eq3A_1130 = arith.cmpf oeq, %select_n3A_1066, %max3A_1117 : vector<256x1xf32>
    %jit3A_1131 = arith.constant 1073741824 : i32
    %broadcast_in_dim3A_1132 = vector.broadcast %jit3A_1131 : i32 to vector<256x1xi32>
    %select_n3A_1133 = arith.select %eq3A_1130, %get3A_56, %broadcast_in_dim3A_1132 : vector<256x1xi1>, vector<256x1xi32>
    %eq3A_1134 = arith.cmpf oeq, %select_n3A_1069, %max3A_1117 : vector<256x1xf32>
    %jit3A_1135 = arith.constant 1073741824 : i32
    %broadcast_in_dim3A_1136 = vector.broadcast %jit3A_1135 : i32 to vector<256x1xi32>
    %select_n3A_1137 = arith.select %eq3A_1134, %get3A_59, %broadcast_in_dim3A_1136 : vector<256x1xi1>, vector<256x1xi32>
    %eq3A_1138 = arith.cmpf oeq, %select_n3A_1072, %max3A_1117 : vector<256x1xf32>
    %jit3A_1139 = arith.constant 1073741824 : i32
    %broadcast_in_dim3A_1140 = vector.broadcast %jit3A_1139 : i32 to vector<256x1xi32>
    %select_n3A_1141 = arith.select %eq3A_1138, %get3A_62, %broadcast_in_dim3A_1140 : vector<256x1xi1>, vector<256x1xi32>
    %eq3A_1142 = arith.cmpf oeq, %select_n3A_1075, %max3A_1117 : vector<256x1xf32>
    %jit3A_1143 = arith.constant 1073741824 : i32
    %broadcast_in_dim3A_1144 = vector.broadcast %jit3A_1143 : i32 to vector<256x1xi32>
    %select_n3A_1145 = arith.select %eq3A_1142, %get3A_65, %broadcast_in_dim3A_1144 : vector<256x1xi1>, vector<256x1xi32>
    %eq3A_1146 = arith.cmpf oeq, %select_n3A_1078, %max3A_1117 : vector<256x1xf32>
    %jit3A_1147 = arith.constant 1073741824 : i32
    %broadcast_in_dim3A_1148 = vector.broadcast %jit3A_1147 : i32 to vector<256x1xi32>
    %select_n3A_1149 = arith.select %eq3A_1146, %get3A_68, %broadcast_in_dim3A_1148 : vector<256x1xi1>, vector<256x1xi32>
    %eq3A_1150 = arith.cmpf oeq, %select_n3A_1081, %max3A_1117 : vector<256x1xf32>
    %jit3A_1151 = arith.constant 1073741824 : i32
    %broadcast_in_dim3A_1152 = vector.broadcast %jit3A_1151 : i32 to vector<256x1xi32>
    %select_n3A_1153 = arith.select %eq3A_1150, %add3A_74, %broadcast_in_dim3A_1152 : vector<256x1xi1>, vector<256x1xi32>
    %eq3A_1154 = arith.cmpf oeq, %select_n3A_1084, %max3A_1117 : vector<256x1xf32>
    %jit3A_1155 = arith.constant 1073741824 : i32
    %broadcast_in_dim3A_1156 = vector.broadcast %jit3A_1155 : i32 to vector<256x1xi32>
    %select_n3A_1157 = arith.select %eq3A_1154, %add3A_84, %broadcast_in_dim3A_1156 : vector<256x1xi1>, vector<256x1xi32>
    %eq3A_1158 = arith.cmpf oeq, %select_n3A_1087, %max3A_1117 : vector<256x1xf32>
    %jit3A_1159 = arith.constant 1073741824 : i32
    %broadcast_in_dim3A_1160 = vector.broadcast %jit3A_1159 : i32 to vector<256x1xi32>
    %select_n3A_1161 = arith.select %eq3A_1158, %add3A_96, %broadcast_in_dim3A_1160 : vector<256x1xi1>, vector<256x1xi32>
    %eq3A_1162 = arith.cmpf oeq, %select_n3A_1090, %max3A_1117 : vector<256x1xf32>
    %jit3A_1163 = arith.constant 1073741824 : i32
    %broadcast_in_dim3A_1164 = vector.broadcast %jit3A_1163 : i32 to vector<256x1xi32>
    %select_n3A_1165 = arith.select %eq3A_1162, %add3A_108, %broadcast_in_dim3A_1164 : vector<256x1xi1>, vector<256x1xi32>
    %eq3A_1166 = arith.cmpf oeq, %select_n3A_1093, %max3A_1117 : vector<256x1xf32>
    %jit3A_1167 = arith.constant 1073741824 : i32
    %broadcast_in_dim3A_1168 = vector.broadcast %jit3A_1167 : i32 to vector<256x1xi32>
    %select_n3A_1169 = arith.select %eq3A_1166, %add3A_120, %broadcast_in_dim3A_1168 : vector<256x1xi1>, vector<256x1xi32>
    %eq3A_1170 = arith.cmpf oeq, %select_n3A_1096, %max3A_1117 : vector<256x1xf32>
    %jit3A_1171 = arith.constant 1073741824 : i32
    %broadcast_in_dim3A_1172 = vector.broadcast %jit3A_1171 : i32 to vector<256x1xi32>
    %select_n3A_1173 = arith.select %eq3A_1170, %add3A_132, %broadcast_in_dim3A_1172 : vector<256x1xi1>, vector<256x1xi32>
    %eq3A_1174 = arith.cmpf oeq, %select_n3A_1099, %max3A_1117 : vector<256x1xf32>
    %jit3A_1175 = arith.constant 1073741824 : i32
    %broadcast_in_dim3A_1176 = vector.broadcast %jit3A_1175 : i32 to vector<256x1xi32>
    %select_n3A_1177 = arith.select %eq3A_1174, %add3A_144, %broadcast_in_dim3A_1176 : vector<256x1xi1>, vector<256x1xi32>
    %eq3A_1178 = arith.cmpf oeq, %select_n3A_1102, %max3A_1117 : vector<256x1xf32>
    %jit3A_1179 = arith.constant 1073741824 : i32
    %broadcast_in_dim3A_1180 = vector.broadcast %jit3A_1179 : i32 to vector<256x1xi32>
    %select_n3A_1181 = arith.select %eq3A_1178, %add3A_154, %broadcast_in_dim3A_1180 : vector<256x1xi1>, vector<256x1xi32>
    %min3A_1182 = arith.minsi %select_n3A_1121, %select_n3A_1125 : vector<256x1xi32>
    %min3A_1183 = arith.minsi %min3A_1182, %select_n3A_1129 : vector<256x1xi32>
    %min3A_1184 = arith.minsi %min3A_1183, %select_n3A_1133 : vector<256x1xi32>
    %min3A_1185 = arith.minsi %min3A_1184, %select_n3A_1137 : vector<256x1xi32>
    %min3A_1186 = arith.minsi %min3A_1185, %select_n3A_1141 : vector<256x1xi32>
    %min3A_1187 = arith.minsi %min3A_1186, %select_n3A_1145 : vector<256x1xi32>
    %min3A_1188 = arith.minsi %min3A_1187, %select_n3A_1149 : vector<256x1xi32>
    %min3A_1189 = arith.minsi %min3A_1188, %select_n3A_1153 : vector<256x1xi32>
    %min3A_1190 = arith.minsi %min3A_1189, %select_n3A_1157 : vector<256x1xi32>
    %min3A_1191 = arith.minsi %min3A_1190, %select_n3A_1161 : vector<256x1xi32>
    %min3A_1192 = arith.minsi %min3A_1191, %select_n3A_1165 : vector<256x1xi32>
    %min3A_1193 = arith.minsi %min3A_1192, %select_n3A_1169 : vector<256x1xi32>
    %min3A_1194 = arith.minsi %min3A_1193, %select_n3A_1173 : vector<256x1xi32>
    %min3A_1195 = arith.minsi %min3A_1194, %select_n3A_1177 : vector<256x1xi32>
    %min3A_1196 = arith.minsi %min3A_1195, %select_n3A_1181 : vector<256x1xi32>
    %eq3A_1197 = arith.cmpf oeq, %select_n3A_1057, %max3A_1117 : vector<256x1xf32>
    %eq3A_1198 = arith.cmpi eq, %get3A_47, %min3A_1196 : vector<256x1xi32>
    %and3A_1199 = arith.andi %eq3A_1197, %eq3A_1198 : vector<256x1xi1>
    %eq3A_1200 = arith.cmpf oeq, %select_n3A_1060, %max3A_1117 : vector<256x1xf32>
    %eq3A_1201 = arith.cmpi eq, %get3A_50, %min3A_1196 : vector<256x1xi32>
    %and3A_1202 = arith.andi %eq3A_1200, %eq3A_1201 : vector<256x1xi1>
    %eq3A_1203 = arith.cmpf oeq, %select_n3A_1063, %max3A_1117 : vector<256x1xf32>
    %eq3A_1204 = arith.cmpi eq, %get3A_53, %min3A_1196 : vector<256x1xi32>
    %and3A_1205 = arith.andi %eq3A_1203, %eq3A_1204 : vector<256x1xi1>
    %eq3A_1206 = arith.cmpf oeq, %select_n3A_1066, %max3A_1117 : vector<256x1xf32>
    %eq3A_1207 = arith.cmpi eq, %get3A_56, %min3A_1196 : vector<256x1xi32>
    %and3A_1208 = arith.andi %eq3A_1206, %eq3A_1207 : vector<256x1xi1>
    %eq3A_1209 = arith.cmpf oeq, %select_n3A_1069, %max3A_1117 : vector<256x1xf32>
    %eq3A_1210 = arith.cmpi eq, %get3A_59, %min3A_1196 : vector<256x1xi32>
    %and3A_1211 = arith.andi %eq3A_1209, %eq3A_1210 : vector<256x1xi1>
    %eq3A_1212 = arith.cmpf oeq, %select_n3A_1072, %max3A_1117 : vector<256x1xf32>
    %eq3A_1213 = arith.cmpi eq, %get3A_62, %min3A_1196 : vector<256x1xi32>
    %and3A_1214 = arith.andi %eq3A_1212, %eq3A_1213 : vector<256x1xi1>
    %eq3A_1215 = arith.cmpf oeq, %select_n3A_1075, %max3A_1117 : vector<256x1xf32>
    %eq3A_1216 = arith.cmpi eq, %get3A_65, %min3A_1196 : vector<256x1xi32>
    %and3A_1217 = arith.andi %eq3A_1215, %eq3A_1216 : vector<256x1xi1>
    %eq3A_1218 = arith.cmpf oeq, %select_n3A_1078, %max3A_1117 : vector<256x1xf32>
    %eq3A_1219 = arith.cmpi eq, %get3A_68, %min3A_1196 : vector<256x1xi32>
    %and3A_1220 = arith.andi %eq3A_1218, %eq3A_1219 : vector<256x1xi1>
    %eq3A_1221 = arith.cmpf oeq, %select_n3A_1081, %max3A_1117 : vector<256x1xf32>
    %eq3A_1222 = arith.cmpi eq, %add3A_74, %min3A_1196 : vector<256x1xi32>
    %and3A_1223 = arith.andi %eq3A_1221, %eq3A_1222 : vector<256x1xi1>
    %eq3A_1224 = arith.cmpf oeq, %select_n3A_1084, %max3A_1117 : vector<256x1xf32>
    %eq3A_1225 = arith.cmpi eq, %add3A_84, %min3A_1196 : vector<256x1xi32>
    %and3A_1226 = arith.andi %eq3A_1224, %eq3A_1225 : vector<256x1xi1>
    %eq3A_1227 = arith.cmpf oeq, %select_n3A_1087, %max3A_1117 : vector<256x1xf32>
    %eq3A_1228 = arith.cmpi eq, %add3A_96, %min3A_1196 : vector<256x1xi32>
    %and3A_1229 = arith.andi %eq3A_1227, %eq3A_1228 : vector<256x1xi1>
    %eq3A_1230 = arith.cmpf oeq, %select_n3A_1090, %max3A_1117 : vector<256x1xf32>
    %eq3A_1231 = arith.cmpi eq, %add3A_108, %min3A_1196 : vector<256x1xi32>
    %and3A_1232 = arith.andi %eq3A_1230, %eq3A_1231 : vector<256x1xi1>
    %eq3A_1233 = arith.cmpf oeq, %select_n3A_1093, %max3A_1117 : vector<256x1xf32>
    %eq3A_1234 = arith.cmpi eq, %add3A_120, %min3A_1196 : vector<256x1xi32>
    %and3A_1235 = arith.andi %eq3A_1233, %eq3A_1234 : vector<256x1xi1>
    %eq3A_1236 = arith.cmpf oeq, %select_n3A_1096, %max3A_1117 : vector<256x1xf32>
    %eq3A_1237 = arith.cmpi eq, %add3A_132, %min3A_1196 : vector<256x1xi32>
    %and3A_1238 = arith.andi %eq3A_1236, %eq3A_1237 : vector<256x1xi1>
    %eq3A_1239 = arith.cmpf oeq, %select_n3A_1099, %max3A_1117 : vector<256x1xf32>
    %eq3A_1240 = arith.cmpi eq, %add3A_144, %min3A_1196 : vector<256x1xi32>
    %and3A_1241 = arith.andi %eq3A_1239, %eq3A_1240 : vector<256x1xi1>
    %eq3A_1242 = arith.cmpf oeq, %select_n3A_1102, %max3A_1117 : vector<256x1xf32>
    %eq3A_1243 = arith.cmpi eq, %add3A_154, %min3A_1196 : vector<256x1xi32>
    %and3A_1244 = arith.andi %eq3A_1242, %eq3A_1243 : vector<256x1xi1>
    %jit3A_1245 = arith.constant 0xFF800000 : f32
    %broadcast_in_dim3A_1246 = vector.broadcast %jit3A_1245 : f32 to vector<256x1xf32>
    %select_n3A_1247 = arith.select %and3A_1199, %broadcast_in_dim3A_1246, %select_n3A_1057 : vector<256x1xi1>, vector<256x1xf32>
    %jit3A_1248 = arith.constant 0xFF800000 : f32
    %broadcast_in_dim3A_1249 = vector.broadcast %jit3A_1248 : f32 to vector<256x1xf32>
    %select_n3A_1250 = arith.select %and3A_1202, %broadcast_in_dim3A_1249, %select_n3A_1060 : vector<256x1xi1>, vector<256x1xf32>
    %jit3A_1251 = arith.constant 0xFF800000 : f32
    %broadcast_in_dim3A_1252 = vector.broadcast %jit3A_1251 : f32 to vector<256x1xf32>
    %select_n3A_1253 = arith.select %and3A_1205, %broadcast_in_dim3A_1252, %select_n3A_1063 : vector<256x1xi1>, vector<256x1xf32>
    %jit3A_1254 = arith.constant 0xFF800000 : f32
    %broadcast_in_dim3A_1255 = vector.broadcast %jit3A_1254 : f32 to vector<256x1xf32>
    %select_n3A_1256 = arith.select %and3A_1208, %broadcast_in_dim3A_1255, %select_n3A_1066 : vector<256x1xi1>, vector<256x1xf32>
    %jit3A_1257 = arith.constant 0xFF800000 : f32
    %broadcast_in_dim3A_1258 = vector.broadcast %jit3A_1257 : f32 to vector<256x1xf32>
    %select_n3A_1259 = arith.select %and3A_1211, %broadcast_in_dim3A_1258, %select_n3A_1069 : vector<256x1xi1>, vector<256x1xf32>
    %jit3A_1260 = arith.constant 0xFF800000 : f32
    %broadcast_in_dim3A_1261 = vector.broadcast %jit3A_1260 : f32 to vector<256x1xf32>
    %select_n3A_1262 = arith.select %and3A_1214, %broadcast_in_dim3A_1261, %select_n3A_1072 : vector<256x1xi1>, vector<256x1xf32>
    %jit3A_1263 = arith.constant 0xFF800000 : f32
    %broadcast_in_dim3A_1264 = vector.broadcast %jit3A_1263 : f32 to vector<256x1xf32>
    %select_n3A_1265 = arith.select %and3A_1217, %broadcast_in_dim3A_1264, %select_n3A_1075 : vector<256x1xi1>, vector<256x1xf32>
    %jit3A_1266 = arith.constant 0xFF800000 : f32
    %broadcast_in_dim3A_1267 = vector.broadcast %jit3A_1266 : f32 to vector<256x1xf32>
    %select_n3A_1268 = arith.select %and3A_1220, %broadcast_in_dim3A_1267, %select_n3A_1078 : vector<256x1xi1>, vector<256x1xf32>
    %jit3A_1269 = arith.constant 0xFF800000 : f32
    %broadcast_in_dim3A_1270 = vector.broadcast %jit3A_1269 : f32 to vector<256x1xf32>
    %select_n3A_1271 = arith.select %and3A_1223, %broadcast_in_dim3A_1270, %select_n3A_1081 : vector<256x1xi1>, vector<256x1xf32>
    %jit3A_1272 = arith.constant 0xFF800000 : f32
    %broadcast_in_dim3A_1273 = vector.broadcast %jit3A_1272 : f32 to vector<256x1xf32>
    %select_n3A_1274 = arith.select %and3A_1226, %broadcast_in_dim3A_1273, %select_n3A_1084 : vector<256x1xi1>, vector<256x1xf32>
    %jit3A_1275 = arith.constant 0xFF800000 : f32
    %broadcast_in_dim3A_1276 = vector.broadcast %jit3A_1275 : f32 to vector<256x1xf32>
    %select_n3A_1277 = arith.select %and3A_1229, %broadcast_in_dim3A_1276, %select_n3A_1087 : vector<256x1xi1>, vector<256x1xf32>
    %jit3A_1278 = arith.constant 0xFF800000 : f32
    %broadcast_in_dim3A_1279 = vector.broadcast %jit3A_1278 : f32 to vector<256x1xf32>
    %select_n3A_1280 = arith.select %and3A_1232, %broadcast_in_dim3A_1279, %select_n3A_1090 : vector<256x1xi1>, vector<256x1xf32>
    %jit3A_1281 = arith.constant 0xFF800000 : f32
    %broadcast_in_dim3A_1282 = vector.broadcast %jit3A_1281 : f32 to vector<256x1xf32>
    %select_n3A_1283 = arith.select %and3A_1235, %broadcast_in_dim3A_1282, %select_n3A_1093 : vector<256x1xi1>, vector<256x1xf32>
    %jit3A_1284 = arith.constant 0xFF800000 : f32
    %broadcast_in_dim3A_1285 = vector.broadcast %jit3A_1284 : f32 to vector<256x1xf32>
    %select_n3A_1286 = arith.select %and3A_1238, %broadcast_in_dim3A_1285, %select_n3A_1096 : vector<256x1xi1>, vector<256x1xf32>
    %jit3A_1287 = arith.constant 0xFF800000 : f32
    %broadcast_in_dim3A_1288 = vector.broadcast %jit3A_1287 : f32 to vector<256x1xf32>
    %select_n3A_1289 = arith.select %and3A_1241, %broadcast_in_dim3A_1288, %select_n3A_1099 : vector<256x1xi1>, vector<256x1xf32>
    %jit3A_1290 = arith.constant 0xFF800000 : f32
    %broadcast_in_dim3A_1291 = vector.broadcast %jit3A_1290 : f32 to vector<256x1xf32>
    %select_n3A_1292 = arith.select %and3A_1244, %broadcast_in_dim3A_1291, %select_n3A_1102 : vector<256x1xi1>, vector<256x1xf32>
    %max3A_1293 = arith.maximumf %select_n3A_1247, %select_n3A_1250 : vector<256x1xf32>
    %max3A_1294 = arith.maximumf %max3A_1293, %select_n3A_1253 : vector<256x1xf32>
    %max3A_1295 = arith.maximumf %max3A_1294, %select_n3A_1256 : vector<256x1xf32>
    %max3A_1296 = arith.maximumf %max3A_1295, %select_n3A_1259 : vector<256x1xf32>
    %max3A_1297 = arith.maximumf %max3A_1296, %select_n3A_1262 : vector<256x1xf32>
    %max3A_1298 = arith.maximumf %max3A_1297, %select_n3A_1265 : vector<256x1xf32>
    %max3A_1299 = arith.maximumf %max3A_1298, %select_n3A_1268 : vector<256x1xf32>
    %max3A_1300 = arith.maximumf %max3A_1299, %select_n3A_1271 : vector<256x1xf32>
    %max3A_1301 = arith.maximumf %max3A_1300, %select_n3A_1274 : vector<256x1xf32>
    %max3A_1302 = arith.maximumf %max3A_1301, %select_n3A_1277 : vector<256x1xf32>
    %max3A_1303 = arith.maximumf %max3A_1302, %select_n3A_1280 : vector<256x1xf32>
    %max3A_1304 = arith.maximumf %max3A_1303, %select_n3A_1283 : vector<256x1xf32>
    %max3A_1305 = arith.maximumf %max3A_1304, %select_n3A_1286 : vector<256x1xf32>
    %max3A_1306 = arith.maximumf %max3A_1305, %select_n3A_1289 : vector<256x1xf32>
    %max3A_1307 = arith.maximumf %max3A_1306, %select_n3A_1292 : vector<256x1xf32>
    %eq3A_1308 = arith.cmpf oeq, %select_n3A_1247, %max3A_1307 : vector<256x1xf32>
    %jit3A_1309 = arith.constant 1073741824 : i32
    %broadcast_in_dim3A_1310 = vector.broadcast %jit3A_1309 : i32 to vector<256x1xi32>
    %select_n3A_1311 = arith.select %eq3A_1308, %get3A_47, %broadcast_in_dim3A_1310 : vector<256x1xi1>, vector<256x1xi32>
    %eq3A_1312 = arith.cmpf oeq, %select_n3A_1250, %max3A_1307 : vector<256x1xf32>
    %jit3A_1313 = arith.constant 1073741824 : i32
    %broadcast_in_dim3A_1314 = vector.broadcast %jit3A_1313 : i32 to vector<256x1xi32>
    %select_n3A_1315 = arith.select %eq3A_1312, %get3A_50, %broadcast_in_dim3A_1314 : vector<256x1xi1>, vector<256x1xi32>
    %eq3A_1316 = arith.cmpf oeq, %select_n3A_1253, %max3A_1307 : vector<256x1xf32>
    %jit3A_1317 = arith.constant 1073741824 : i32
    %broadcast_in_dim3A_1318 = vector.broadcast %jit3A_1317 : i32 to vector<256x1xi32>
    %select_n3A_1319 = arith.select %eq3A_1316, %get3A_53, %broadcast_in_dim3A_1318 : vector<256x1xi1>, vector<256x1xi32>
    %eq3A_1320 = arith.cmpf oeq, %select_n3A_1256, %max3A_1307 : vector<256x1xf32>
    %jit3A_1321 = arith.constant 1073741824 : i32
    %broadcast_in_dim3A_1322 = vector.broadcast %jit3A_1321 : i32 to vector<256x1xi32>
    %select_n3A_1323 = arith.select %eq3A_1320, %get3A_56, %broadcast_in_dim3A_1322 : vector<256x1xi1>, vector<256x1xi32>
    %eq3A_1324 = arith.cmpf oeq, %select_n3A_1259, %max3A_1307 : vector<256x1xf32>
    %jit3A_1325 = arith.constant 1073741824 : i32
    %broadcast_in_dim3A_1326 = vector.broadcast %jit3A_1325 : i32 to vector<256x1xi32>
    %select_n3A_1327 = arith.select %eq3A_1324, %get3A_59, %broadcast_in_dim3A_1326 : vector<256x1xi1>, vector<256x1xi32>
    %eq3A_1328 = arith.cmpf oeq, %select_n3A_1262, %max3A_1307 : vector<256x1xf32>
    %jit3A_1329 = arith.constant 1073741824 : i32
    %broadcast_in_dim3A_1330 = vector.broadcast %jit3A_1329 : i32 to vector<256x1xi32>
    %select_n3A_1331 = arith.select %eq3A_1328, %get3A_62, %broadcast_in_dim3A_1330 : vector<256x1xi1>, vector<256x1xi32>
    %eq3A_1332 = arith.cmpf oeq, %select_n3A_1265, %max3A_1307 : vector<256x1xf32>
    %jit3A_1333 = arith.constant 1073741824 : i32
    %broadcast_in_dim3A_1334 = vector.broadcast %jit3A_1333 : i32 to vector<256x1xi32>
    %select_n3A_1335 = arith.select %eq3A_1332, %get3A_65, %broadcast_in_dim3A_1334 : vector<256x1xi1>, vector<256x1xi32>
    %eq3A_1336 = arith.cmpf oeq, %select_n3A_1268, %max3A_1307 : vector<256x1xf32>
    %jit3A_1337 = arith.constant 1073741824 : i32
    %broadcast_in_dim3A_1338 = vector.broadcast %jit3A_1337 : i32 to vector<256x1xi32>
    %select_n3A_1339 = arith.select %eq3A_1336, %get3A_68, %broadcast_in_dim3A_1338 : vector<256x1xi1>, vector<256x1xi32>
    %eq3A_1340 = arith.cmpf oeq, %select_n3A_1271, %max3A_1307 : vector<256x1xf32>
    %jit3A_1341 = arith.constant 1073741824 : i32
    %broadcast_in_dim3A_1342 = vector.broadcast %jit3A_1341 : i32 to vector<256x1xi32>
    %select_n3A_1343 = arith.select %eq3A_1340, %add3A_74, %broadcast_in_dim3A_1342 : vector<256x1xi1>, vector<256x1xi32>
    %eq3A_1344 = arith.cmpf oeq, %select_n3A_1274, %max3A_1307 : vector<256x1xf32>
    %jit3A_1345 = arith.constant 1073741824 : i32
    %broadcast_in_dim3A_1346 = vector.broadcast %jit3A_1345 : i32 to vector<256x1xi32>
    %select_n3A_1347 = arith.select %eq3A_1344, %add3A_84, %broadcast_in_dim3A_1346 : vector<256x1xi1>, vector<256x1xi32>
    %eq3A_1348 = arith.cmpf oeq, %select_n3A_1277, %max3A_1307 : vector<256x1xf32>
    %jit3A_1349 = arith.constant 1073741824 : i32
    %broadcast_in_dim3A_1350 = vector.broadcast %jit3A_1349 : i32 to vector<256x1xi32>
    %select_n3A_1351 = arith.select %eq3A_1348, %add3A_96, %broadcast_in_dim3A_1350 : vector<256x1xi1>, vector<256x1xi32>
    %eq3A_1352 = arith.cmpf oeq, %select_n3A_1280, %max3A_1307 : vector<256x1xf32>
    %jit3A_1353 = arith.constant 1073741824 : i32
    %broadcast_in_dim3A_1354 = vector.broadcast %jit3A_1353 : i32 to vector<256x1xi32>
    %select_n3A_1355 = arith.select %eq3A_1352, %add3A_108, %broadcast_in_dim3A_1354 : vector<256x1xi1>, vector<256x1xi32>
    %eq3A_1356 = arith.cmpf oeq, %select_n3A_1283, %max3A_1307 : vector<256x1xf32>
    %jit3A_1357 = arith.constant 1073741824 : i32
    %broadcast_in_dim3A_1358 = vector.broadcast %jit3A_1357 : i32 to vector<256x1xi32>
    %select_n3A_1359 = arith.select %eq3A_1356, %add3A_120, %broadcast_in_dim3A_1358 : vector<256x1xi1>, vector<256x1xi32>
    %eq3A_1360 = arith.cmpf oeq, %select_n3A_1286, %max3A_1307 : vector<256x1xf32>
    %jit3A_1361 = arith.constant 1073741824 : i32
    %broadcast_in_dim3A_1362 = vector.broadcast %jit3A_1361 : i32 to vector<256x1xi32>
    %select_n3A_1363 = arith.select %eq3A_1360, %add3A_132, %broadcast_in_dim3A_1362 : vector<256x1xi1>, vector<256x1xi32>
    %eq3A_1364 = arith.cmpf oeq, %select_n3A_1289, %max3A_1307 : vector<256x1xf32>
    %jit3A_1365 = arith.constant 1073741824 : i32
    %broadcast_in_dim3A_1366 = vector.broadcast %jit3A_1365 : i32 to vector<256x1xi32>
    %select_n3A_1367 = arith.select %eq3A_1364, %add3A_144, %broadcast_in_dim3A_1366 : vector<256x1xi1>, vector<256x1xi32>
    %eq3A_1368 = arith.cmpf oeq, %select_n3A_1292, %max3A_1307 : vector<256x1xf32>
    %jit3A_1369 = arith.constant 1073741824 : i32
    %broadcast_in_dim3A_1370 = vector.broadcast %jit3A_1369 : i32 to vector<256x1xi32>
    %select_n3A_1371 = arith.select %eq3A_1368, %add3A_154, %broadcast_in_dim3A_1370 : vector<256x1xi1>, vector<256x1xi32>
    %min3A_1372 = arith.minsi %select_n3A_1311, %select_n3A_1315 : vector<256x1xi32>
    %min3A_1373 = arith.minsi %min3A_1372, %select_n3A_1319 : vector<256x1xi32>
    %min3A_1374 = arith.minsi %min3A_1373, %select_n3A_1323 : vector<256x1xi32>
    %min3A_1375 = arith.minsi %min3A_1374, %select_n3A_1327 : vector<256x1xi32>
    %min3A_1376 = arith.minsi %min3A_1375, %select_n3A_1331 : vector<256x1xi32>
    %min3A_1377 = arith.minsi %min3A_1376, %select_n3A_1335 : vector<256x1xi32>
    %min3A_1378 = arith.minsi %min3A_1377, %select_n3A_1339 : vector<256x1xi32>
    %min3A_1379 = arith.minsi %min3A_1378, %select_n3A_1343 : vector<256x1xi32>
    %min3A_1380 = arith.minsi %min3A_1379, %select_n3A_1347 : vector<256x1xi32>
    %min3A_1381 = arith.minsi %min3A_1380, %select_n3A_1351 : vector<256x1xi32>
    %min3A_1382 = arith.minsi %min3A_1381, %select_n3A_1355 : vector<256x1xi32>
    %min3A_1383 = arith.minsi %min3A_1382, %select_n3A_1359 : vector<256x1xi32>
    %min3A_1384 = arith.minsi %min3A_1383, %select_n3A_1363 : vector<256x1xi32>
    %min3A_1385 = arith.minsi %min3A_1384, %select_n3A_1367 : vector<256x1xi32>
    %min3A_1386 = arith.minsi %min3A_1385, %select_n3A_1371 : vector<256x1xi32>
    %eq3A_1387 = arith.cmpf oeq, %select_n3A_1247, %max3A_1307 : vector<256x1xf32>
    %eq3A_1388 = arith.cmpi eq, %get3A_47, %min3A_1386 : vector<256x1xi32>
    %and3A_1389 = arith.andi %eq3A_1387, %eq3A_1388 : vector<256x1xi1>
    %eq3A_1390 = arith.cmpf oeq, %select_n3A_1250, %max3A_1307 : vector<256x1xf32>
    %eq3A_1391 = arith.cmpi eq, %get3A_50, %min3A_1386 : vector<256x1xi32>
    %and3A_1392 = arith.andi %eq3A_1390, %eq3A_1391 : vector<256x1xi1>
    %eq3A_1393 = arith.cmpf oeq, %select_n3A_1253, %max3A_1307 : vector<256x1xf32>
    %eq3A_1394 = arith.cmpi eq, %get3A_53, %min3A_1386 : vector<256x1xi32>
    %and3A_1395 = arith.andi %eq3A_1393, %eq3A_1394 : vector<256x1xi1>
    %eq3A_1396 = arith.cmpf oeq, %select_n3A_1256, %max3A_1307 : vector<256x1xf32>
    %eq3A_1397 = arith.cmpi eq, %get3A_56, %min3A_1386 : vector<256x1xi32>
    %and3A_1398 = arith.andi %eq3A_1396, %eq3A_1397 : vector<256x1xi1>
    %eq3A_1399 = arith.cmpf oeq, %select_n3A_1259, %max3A_1307 : vector<256x1xf32>
    %eq3A_1400 = arith.cmpi eq, %get3A_59, %min3A_1386 : vector<256x1xi32>
    %and3A_1401 = arith.andi %eq3A_1399, %eq3A_1400 : vector<256x1xi1>
    %eq3A_1402 = arith.cmpf oeq, %select_n3A_1262, %max3A_1307 : vector<256x1xf32>
    %eq3A_1403 = arith.cmpi eq, %get3A_62, %min3A_1386 : vector<256x1xi32>
    %and3A_1404 = arith.andi %eq3A_1402, %eq3A_1403 : vector<256x1xi1>
    %eq3A_1405 = arith.cmpf oeq, %select_n3A_1265, %max3A_1307 : vector<256x1xf32>
    %eq3A_1406 = arith.cmpi eq, %get3A_65, %min3A_1386 : vector<256x1xi32>
    %and3A_1407 = arith.andi %eq3A_1405, %eq3A_1406 : vector<256x1xi1>
    %eq3A_1408 = arith.cmpf oeq, %select_n3A_1268, %max3A_1307 : vector<256x1xf32>
    %eq3A_1409 = arith.cmpi eq, %get3A_68, %min3A_1386 : vector<256x1xi32>
    %and3A_1410 = arith.andi %eq3A_1408, %eq3A_1409 : vector<256x1xi1>
    %eq3A_1411 = arith.cmpf oeq, %select_n3A_1271, %max3A_1307 : vector<256x1xf32>
    %eq3A_1412 = arith.cmpi eq, %add3A_74, %min3A_1386 : vector<256x1xi32>
    %and3A_1413 = arith.andi %eq3A_1411, %eq3A_1412 : vector<256x1xi1>
    %eq3A_1414 = arith.cmpf oeq, %select_n3A_1274, %max3A_1307 : vector<256x1xf32>
    %eq3A_1415 = arith.cmpi eq, %add3A_84, %min3A_1386 : vector<256x1xi32>
    %and3A_1416 = arith.andi %eq3A_1414, %eq3A_1415 : vector<256x1xi1>
    %eq3A_1417 = arith.cmpf oeq, %select_n3A_1277, %max3A_1307 : vector<256x1xf32>
    %eq3A_1418 = arith.cmpi eq, %add3A_96, %min3A_1386 : vector<256x1xi32>
    %and3A_1419 = arith.andi %eq3A_1417, %eq3A_1418 : vector<256x1xi1>
    %eq3A_1420 = arith.cmpf oeq, %select_n3A_1280, %max3A_1307 : vector<256x1xf32>
    %eq3A_1421 = arith.cmpi eq, %add3A_108, %min3A_1386 : vector<256x1xi32>
    %and3A_1422 = arith.andi %eq3A_1420, %eq3A_1421 : vector<256x1xi1>
    %eq3A_1423 = arith.cmpf oeq, %select_n3A_1283, %max3A_1307 : vector<256x1xf32>
    %eq3A_1424 = arith.cmpi eq, %add3A_120, %min3A_1386 : vector<256x1xi32>
    %and3A_1425 = arith.andi %eq3A_1423, %eq3A_1424 : vector<256x1xi1>
    %eq3A_1426 = arith.cmpf oeq, %select_n3A_1286, %max3A_1307 : vector<256x1xf32>
    %eq3A_1427 = arith.cmpi eq, %add3A_132, %min3A_1386 : vector<256x1xi32>
    %and3A_1428 = arith.andi %eq3A_1426, %eq3A_1427 : vector<256x1xi1>
    %eq3A_1429 = arith.cmpf oeq, %select_n3A_1289, %max3A_1307 : vector<256x1xf32>
    %eq3A_1430 = arith.cmpi eq, %add3A_144, %min3A_1386 : vector<256x1xi32>
    %and3A_1431 = arith.andi %eq3A_1429, %eq3A_1430 : vector<256x1xi1>
    %eq3A_1432 = arith.cmpf oeq, %select_n3A_1292, %max3A_1307 : vector<256x1xf32>
    %eq3A_1433 = arith.cmpi eq, %add3A_154, %min3A_1386 : vector<256x1xi32>
    %and3A_1434 = arith.andi %eq3A_1432, %eq3A_1433 : vector<256x1xi1>
    %jit3A_1435 = arith.constant 0xFF800000 : f32
    %broadcast_in_dim3A_1436 = vector.broadcast %jit3A_1435 : f32 to vector<256x1xf32>
    %select_n3A_1437 = arith.select %and3A_1389, %broadcast_in_dim3A_1436, %select_n3A_1247 : vector<256x1xi1>, vector<256x1xf32>
    %jit3A_1438 = arith.constant 0xFF800000 : f32
    %broadcast_in_dim3A_1439 = vector.broadcast %jit3A_1438 : f32 to vector<256x1xf32>
    %select_n3A_1440 = arith.select %and3A_1392, %broadcast_in_dim3A_1439, %select_n3A_1250 : vector<256x1xi1>, vector<256x1xf32>
    %jit3A_1441 = arith.constant 0xFF800000 : f32
    %broadcast_in_dim3A_1442 = vector.broadcast %jit3A_1441 : f32 to vector<256x1xf32>
    %select_n3A_1443 = arith.select %and3A_1395, %broadcast_in_dim3A_1442, %select_n3A_1253 : vector<256x1xi1>, vector<256x1xf32>
    %jit3A_1444 = arith.constant 0xFF800000 : f32
    %broadcast_in_dim3A_1445 = vector.broadcast %jit3A_1444 : f32 to vector<256x1xf32>
    %select_n3A_1446 = arith.select %and3A_1398, %broadcast_in_dim3A_1445, %select_n3A_1256 : vector<256x1xi1>, vector<256x1xf32>
    %jit3A_1447 = arith.constant 0xFF800000 : f32
    %broadcast_in_dim3A_1448 = vector.broadcast %jit3A_1447 : f32 to vector<256x1xf32>
    %select_n3A_1449 = arith.select %and3A_1401, %broadcast_in_dim3A_1448, %select_n3A_1259 : vector<256x1xi1>, vector<256x1xf32>
    %jit3A_1450 = arith.constant 0xFF800000 : f32
    %broadcast_in_dim3A_1451 = vector.broadcast %jit3A_1450 : f32 to vector<256x1xf32>
    %select_n3A_1452 = arith.select %and3A_1404, %broadcast_in_dim3A_1451, %select_n3A_1262 : vector<256x1xi1>, vector<256x1xf32>
    %jit3A_1453 = arith.constant 0xFF800000 : f32
    %broadcast_in_dim3A_1454 = vector.broadcast %jit3A_1453 : f32 to vector<256x1xf32>
    %select_n3A_1455 = arith.select %and3A_1407, %broadcast_in_dim3A_1454, %select_n3A_1265 : vector<256x1xi1>, vector<256x1xf32>
    %jit3A_1456 = arith.constant 0xFF800000 : f32
    %broadcast_in_dim3A_1457 = vector.broadcast %jit3A_1456 : f32 to vector<256x1xf32>
    %select_n3A_1458 = arith.select %and3A_1410, %broadcast_in_dim3A_1457, %select_n3A_1268 : vector<256x1xi1>, vector<256x1xf32>
    %jit3A_1459 = arith.constant 0xFF800000 : f32
    %broadcast_in_dim3A_1460 = vector.broadcast %jit3A_1459 : f32 to vector<256x1xf32>
    %select_n3A_1461 = arith.select %and3A_1413, %broadcast_in_dim3A_1460, %select_n3A_1271 : vector<256x1xi1>, vector<256x1xf32>
    %jit3A_1462 = arith.constant 0xFF800000 : f32
    %broadcast_in_dim3A_1463 = vector.broadcast %jit3A_1462 : f32 to vector<256x1xf32>
    %select_n3A_1464 = arith.select %and3A_1416, %broadcast_in_dim3A_1463, %select_n3A_1274 : vector<256x1xi1>, vector<256x1xf32>
    %jit3A_1465 = arith.constant 0xFF800000 : f32
    %broadcast_in_dim3A_1466 = vector.broadcast %jit3A_1465 : f32 to vector<256x1xf32>
    %select_n3A_1467 = arith.select %and3A_1419, %broadcast_in_dim3A_1466, %select_n3A_1277 : vector<256x1xi1>, vector<256x1xf32>
    %jit3A_1468 = arith.constant 0xFF800000 : f32
    %broadcast_in_dim3A_1469 = vector.broadcast %jit3A_1468 : f32 to vector<256x1xf32>
    %select_n3A_1470 = arith.select %and3A_1422, %broadcast_in_dim3A_1469, %select_n3A_1280 : vector<256x1xi1>, vector<256x1xf32>
    %jit3A_1471 = arith.constant 0xFF800000 : f32
    %broadcast_in_dim3A_1472 = vector.broadcast %jit3A_1471 : f32 to vector<256x1xf32>
    %select_n3A_1473 = arith.select %and3A_1425, %broadcast_in_dim3A_1472, %select_n3A_1283 : vector<256x1xi1>, vector<256x1xf32>
    %jit3A_1474 = arith.constant 0xFF800000 : f32
    %broadcast_in_dim3A_1475 = vector.broadcast %jit3A_1474 : f32 to vector<256x1xf32>
    %select_n3A_1476 = arith.select %and3A_1428, %broadcast_in_dim3A_1475, %select_n3A_1286 : vector<256x1xi1>, vector<256x1xf32>
    %jit3A_1477 = arith.constant 0xFF800000 : f32
    %broadcast_in_dim3A_1478 = vector.broadcast %jit3A_1477 : f32 to vector<256x1xf32>
    %select_n3A_1479 = arith.select %and3A_1431, %broadcast_in_dim3A_1478, %select_n3A_1289 : vector<256x1xi1>, vector<256x1xf32>
    %jit3A_1480 = arith.constant 0xFF800000 : f32
    %broadcast_in_dim3A_1481 = vector.broadcast %jit3A_1480 : f32 to vector<256x1xf32>
    %select_n3A_1482 = arith.select %and3A_1434, %broadcast_in_dim3A_1481, %select_n3A_1292 : vector<256x1xi1>, vector<256x1xf32>
    %max3A_1483 = arith.maximumf %select_n3A_1437, %select_n3A_1440 : vector<256x1xf32>
    %max3A_1484 = arith.maximumf %max3A_1483, %select_n3A_1443 : vector<256x1xf32>
    %max3A_1485 = arith.maximumf %max3A_1484, %select_n3A_1446 : vector<256x1xf32>
    %max3A_1486 = arith.maximumf %max3A_1485, %select_n3A_1449 : vector<256x1xf32>
    %max3A_1487 = arith.maximumf %max3A_1486, %select_n3A_1452 : vector<256x1xf32>
    %max3A_1488 = arith.maximumf %max3A_1487, %select_n3A_1455 : vector<256x1xf32>
    %max3A_1489 = arith.maximumf %max3A_1488, %select_n3A_1458 : vector<256x1xf32>
    %max3A_1490 = arith.maximumf %max3A_1489, %select_n3A_1461 : vector<256x1xf32>
    %max3A_1491 = arith.maximumf %max3A_1490, %select_n3A_1464 : vector<256x1xf32>
    %max3A_1492 = arith.maximumf %max3A_1491, %select_n3A_1467 : vector<256x1xf32>
    %max3A_1493 = arith.maximumf %max3A_1492, %select_n3A_1470 : vector<256x1xf32>
    %max3A_1494 = arith.maximumf %max3A_1493, %select_n3A_1473 : vector<256x1xf32>
    %max3A_1495 = arith.maximumf %max3A_1494, %select_n3A_1476 : vector<256x1xf32>
    %max3A_1496 = arith.maximumf %max3A_1495, %select_n3A_1479 : vector<256x1xf32>
    %max3A_1497 = arith.maximumf %max3A_1496, %select_n3A_1482 : vector<256x1xf32>
    %eq3A_1498 = arith.cmpf oeq, %select_n3A_1437, %max3A_1497 : vector<256x1xf32>
    %jit3A_1499 = arith.constant 1073741824 : i32
    %broadcast_in_dim3A_1500 = vector.broadcast %jit3A_1499 : i32 to vector<256x1xi32>
    %select_n3A_1501 = arith.select %eq3A_1498, %get3A_47, %broadcast_in_dim3A_1500 : vector<256x1xi1>, vector<256x1xi32>
    %eq3A_1502 = arith.cmpf oeq, %select_n3A_1440, %max3A_1497 : vector<256x1xf32>
    %jit3A_1503 = arith.constant 1073741824 : i32
    %broadcast_in_dim3A_1504 = vector.broadcast %jit3A_1503 : i32 to vector<256x1xi32>
    %select_n3A_1505 = arith.select %eq3A_1502, %get3A_50, %broadcast_in_dim3A_1504 : vector<256x1xi1>, vector<256x1xi32>
    %eq3A_1506 = arith.cmpf oeq, %select_n3A_1443, %max3A_1497 : vector<256x1xf32>
    %jit3A_1507 = arith.constant 1073741824 : i32
    %broadcast_in_dim3A_1508 = vector.broadcast %jit3A_1507 : i32 to vector<256x1xi32>
    %select_n3A_1509 = arith.select %eq3A_1506, %get3A_53, %broadcast_in_dim3A_1508 : vector<256x1xi1>, vector<256x1xi32>
    %eq3A_1510 = arith.cmpf oeq, %select_n3A_1446, %max3A_1497 : vector<256x1xf32>
    %jit3A_1511 = arith.constant 1073741824 : i32
    %broadcast_in_dim3A_1512 = vector.broadcast %jit3A_1511 : i32 to vector<256x1xi32>
    %select_n3A_1513 = arith.select %eq3A_1510, %get3A_56, %broadcast_in_dim3A_1512 : vector<256x1xi1>, vector<256x1xi32>
    %eq3A_1514 = arith.cmpf oeq, %select_n3A_1449, %max3A_1497 : vector<256x1xf32>
    %jit3A_1515 = arith.constant 1073741824 : i32
    %broadcast_in_dim3A_1516 = vector.broadcast %jit3A_1515 : i32 to vector<256x1xi32>
    %select_n3A_1517 = arith.select %eq3A_1514, %get3A_59, %broadcast_in_dim3A_1516 : vector<256x1xi1>, vector<256x1xi32>
    %eq3A_1518 = arith.cmpf oeq, %select_n3A_1452, %max3A_1497 : vector<256x1xf32>
    %jit3A_1519 = arith.constant 1073741824 : i32
    %broadcast_in_dim3A_1520 = vector.broadcast %jit3A_1519 : i32 to vector<256x1xi32>
    %select_n3A_1521 = arith.select %eq3A_1518, %get3A_62, %broadcast_in_dim3A_1520 : vector<256x1xi1>, vector<256x1xi32>
    %eq3A_1522 = arith.cmpf oeq, %select_n3A_1455, %max3A_1497 : vector<256x1xf32>
    %jit3A_1523 = arith.constant 1073741824 : i32
    %broadcast_in_dim3A_1524 = vector.broadcast %jit3A_1523 : i32 to vector<256x1xi32>
    %select_n3A_1525 = arith.select %eq3A_1522, %get3A_65, %broadcast_in_dim3A_1524 : vector<256x1xi1>, vector<256x1xi32>
    %eq3A_1526 = arith.cmpf oeq, %select_n3A_1458, %max3A_1497 : vector<256x1xf32>
    %jit3A_1527 = arith.constant 1073741824 : i32
    %broadcast_in_dim3A_1528 = vector.broadcast %jit3A_1527 : i32 to vector<256x1xi32>
    %select_n3A_1529 = arith.select %eq3A_1526, %get3A_68, %broadcast_in_dim3A_1528 : vector<256x1xi1>, vector<256x1xi32>
    %eq3A_1530 = arith.cmpf oeq, %select_n3A_1461, %max3A_1497 : vector<256x1xf32>
    %jit3A_1531 = arith.constant 1073741824 : i32
    %broadcast_in_dim3A_1532 = vector.broadcast %jit3A_1531 : i32 to vector<256x1xi32>
    %select_n3A_1533 = arith.select %eq3A_1530, %add3A_74, %broadcast_in_dim3A_1532 : vector<256x1xi1>, vector<256x1xi32>
    %eq3A_1534 = arith.cmpf oeq, %select_n3A_1464, %max3A_1497 : vector<256x1xf32>
    %jit3A_1535 = arith.constant 1073741824 : i32
    %broadcast_in_dim3A_1536 = vector.broadcast %jit3A_1535 : i32 to vector<256x1xi32>
    %select_n3A_1537 = arith.select %eq3A_1534, %add3A_84, %broadcast_in_dim3A_1536 : vector<256x1xi1>, vector<256x1xi32>
    %eq3A_1538 = arith.cmpf oeq, %select_n3A_1467, %max3A_1497 : vector<256x1xf32>
    %jit3A_1539 = arith.constant 1073741824 : i32
    %broadcast_in_dim3A_1540 = vector.broadcast %jit3A_1539 : i32 to vector<256x1xi32>
    %select_n3A_1541 = arith.select %eq3A_1538, %add3A_96, %broadcast_in_dim3A_1540 : vector<256x1xi1>, vector<256x1xi32>
    %eq3A_1542 = arith.cmpf oeq, %select_n3A_1470, %max3A_1497 : vector<256x1xf32>
    %jit3A_1543 = arith.constant 1073741824 : i32
    %broadcast_in_dim3A_1544 = vector.broadcast %jit3A_1543 : i32 to vector<256x1xi32>
    %select_n3A_1545 = arith.select %eq3A_1542, %add3A_108, %broadcast_in_dim3A_1544 : vector<256x1xi1>, vector<256x1xi32>
    %eq3A_1546 = arith.cmpf oeq, %select_n3A_1473, %max3A_1497 : vector<256x1xf32>
    %jit3A_1547 = arith.constant 1073741824 : i32
    %broadcast_in_dim3A_1548 = vector.broadcast %jit3A_1547 : i32 to vector<256x1xi32>
    %select_n3A_1549 = arith.select %eq3A_1546, %add3A_120, %broadcast_in_dim3A_1548 : vector<256x1xi1>, vector<256x1xi32>
    %eq3A_1550 = arith.cmpf oeq, %select_n3A_1476, %max3A_1497 : vector<256x1xf32>
    %jit3A_1551 = arith.constant 1073741824 : i32
    %broadcast_in_dim3A_1552 = vector.broadcast %jit3A_1551 : i32 to vector<256x1xi32>
    %select_n3A_1553 = arith.select %eq3A_1550, %add3A_132, %broadcast_in_dim3A_1552 : vector<256x1xi1>, vector<256x1xi32>
    %eq3A_1554 = arith.cmpf oeq, %select_n3A_1479, %max3A_1497 : vector<256x1xf32>
    %jit3A_1555 = arith.constant 1073741824 : i32
    %broadcast_in_dim3A_1556 = vector.broadcast %jit3A_1555 : i32 to vector<256x1xi32>
    %select_n3A_1557 = arith.select %eq3A_1554, %add3A_144, %broadcast_in_dim3A_1556 : vector<256x1xi1>, vector<256x1xi32>
    %eq3A_1558 = arith.cmpf oeq, %select_n3A_1482, %max3A_1497 : vector<256x1xf32>
    %jit3A_1559 = arith.constant 1073741824 : i32
    %broadcast_in_dim3A_1560 = vector.broadcast %jit3A_1559 : i32 to vector<256x1xi32>
    %select_n3A_1561 = arith.select %eq3A_1558, %add3A_154, %broadcast_in_dim3A_1560 : vector<256x1xi1>, vector<256x1xi32>
    %min3A_1562 = arith.minsi %select_n3A_1501, %select_n3A_1505 : vector<256x1xi32>
    %min3A_1563 = arith.minsi %min3A_1562, %select_n3A_1509 : vector<256x1xi32>
    %min3A_1564 = arith.minsi %min3A_1563, %select_n3A_1513 : vector<256x1xi32>
    %min3A_1565 = arith.minsi %min3A_1564, %select_n3A_1517 : vector<256x1xi32>
    %min3A_1566 = arith.minsi %min3A_1565, %select_n3A_1521 : vector<256x1xi32>
    %min3A_1567 = arith.minsi %min3A_1566, %select_n3A_1525 : vector<256x1xi32>
    %min3A_1568 = arith.minsi %min3A_1567, %select_n3A_1529 : vector<256x1xi32>
    %min3A_1569 = arith.minsi %min3A_1568, %select_n3A_1533 : vector<256x1xi32>
    %min3A_1570 = arith.minsi %min3A_1569, %select_n3A_1537 : vector<256x1xi32>
    %min3A_1571 = arith.minsi %min3A_1570, %select_n3A_1541 : vector<256x1xi32>
    %min3A_1572 = arith.minsi %min3A_1571, %select_n3A_1545 : vector<256x1xi32>
    %min3A_1573 = arith.minsi %min3A_1572, %select_n3A_1549 : vector<256x1xi32>
    %min3A_1574 = arith.minsi %min3A_1573, %select_n3A_1553 : vector<256x1xi32>
    %min3A_1575 = arith.minsi %min3A_1574, %select_n3A_1557 : vector<256x1xi32>
    %min3A_1576 = arith.minsi %min3A_1575, %select_n3A_1561 : vector<256x1xi32>
    %concatenate3A = tpu.concatenate %max3A_169, %max3A_357, %max3A_547, %max3A_737, %max3A_927, %max3A_1117, %max3A_1307, %max3A_1497 in 1 : vector<256x1xf32>, vector<256x1xf32>, vector<256x1xf32>, vector<256x1xf32>, vector<256x1xf32>, vector<256x1xf32>, vector<256x1xf32>, vector<256x1xf32> -> vector<256x8xf32>
    %swap3A = arith.constant 0 : index
    %swap3A_1577 = arith.constant 0 : index
    %swap3A_1578 = vector.load %arg9[%swap3A, %swap3A_1577] : memref<256x8xf32, #tpu.memory_space<vmem>>, vector<256x8xf32>
    tpu.vector_store %arg9[%swap3A, %swap3A_1577], %concatenate3A {strides = array<i32>} : memref<256x8xf32, #tpu.memory_space<vmem>>, vector<256x8xf32>,
    %concatenate3A_1579 = tpu.concatenate %min3A_247, %min3A_436, %min3A_626, %min3A_816, %min3A_1006, %min3A_1196, %min3A_1386, %min3A_1576 in 1 : vector<256x1xi32>, vector<256x1xi32>, vector<256x1xi32>, vector<256x1xi32>, vector<256x1xi32>, vector<256x1xi32>, vector<256x1xi32>, vector<256x1xi32> -> vector<256x8xi32>
    %swap3A_1580 = arith.constant 0 : index
    %swap3A_1581 = arith.constant 0 : index
    %swap3A_1582 = vector.load %arg10[%swap3A_1580, %swap3A_1581] : memref<256x8xi32, #tpu.memory_space<vmem>>, vector<256x8xi32>
    tpu.vector_store %arg10[%swap3A_1580, %swap3A_1581], %concatenate3A_1579 {strides = array<i32>} : memref<256x8xi32, #tpu.memory_space<vmem>>, vector<256x8xi32>,
    %eq3A_1583 = arith.constant 49 : i32
    %eq3A_1584 = arith.cmpi eq, %arg1, %eq3A_1583 : i32
    %convert_element_type3A_1585 = arith.extui %eq3A_1584 : i1 to i32
    %cond3A_1586 = arith.constant 0 : i32
    %cond3A_1587 = arith.cmpi ne, %convert_element_type3A_1585, %cond3A_1586 : i32
    scf.if %cond3A_1587 {
      %concatenate3A_1588 = tpu.concatenate %min3A_247, %min3A_436, %min3A_626, %min3A_816, %min3A_1006, %min3A_1196, %min3A_1386, %min3A_1576 in 1 : vector<256x1xi32>, vector<256x1xi32>, vector<256x1xi32>, vector<256x1xi32>, vector<256x1xi32>, vector<256x1xi32>, vector<256x1xi32>, vector<256x1xi32> -> vector<256x8xi32>
      %swap3A_1589 = arith.constant 0 : index
      %swap3A_1590 = arith.constant 0 : index
      %swap3A_1591 = vector.load %arg7[%swap3A_1589, %swap3A_1590] : memref<256x8xi32, #tpu.memory_space<vmem>>, vector<256x8xi32>
      tpu.vector_store %arg7[%swap3A_1589, %swap3A_1590], %concatenate3A_1588 {strides = array<i32>} : memref<256x8xi32, #tpu.memory_space<vmem>>, vector<256x8xi32>,
    } else {
    }
    return
  }
  func.func @transform_0(%arg0: i32, %arg1: i32) -> (i32, i32) {
    %c0_i32 = arith.constant 0 : i32
    %c0_i32_0 = arith.constant 0 : i32
    return %arg0, %c0_i32 : i32, i32
  }
  func.func @transform_1(%arg0: i32, %arg1: i32) -> (i32, i32) {
    %c0_i32 = arith.constant 0 : i32
    %c0_i32_0 = arith.constant 0 : i32
    %c0_i32_1 = arith.constant 0 : i32
    return %c0_i32, %c0_i32_0 : i32, i32
  }
  func.func @transform_2(%arg0: i32, %arg1: i32) -> (i32, i32) {
    %c0_i32 = arith.constant 0 : i32
    %c0_i32_0 = arith.constant 0 : i32
    %c0_i32_1 = arith.constant 0 : i32
    return %c0_i32, %c0_i32_0 : i32, i32
  }
  func.func @transform_3(%arg0: i32, %arg1: i32) -> (i32, i32) {
    %c0_i32 = arith.constant 0 : i32
    %c0_i32_0 = arith.constant 0 : i32
    return %arg1, %c0_i32 : i32, i32
  }
  func.func @transform_4(%arg0: i32, %arg1: i32) -> (i32, i32, i32) {
    %c0_i32 = arith.constant 0 : i32
    %c0_i32_0 = arith.constant 0 : i32
    %c0_i32_1 = arith.constant 0 : i32
    return %arg1, %c0_i32, %c0_i32_0 : i32, i32, i32
  }
  func.func @transform_5(%arg0: i32, %arg1: i32) -> (i32, i32) {
    %c0_i32 = arith.constant 0 : i32
    %c0_i32_0 = arith.constant 0 : i32
    return %arg0, %c0_i32 : i32, i32
  }
}

module attributes {stable_mosaic.version = 14 : i64} {
  func.func @_attn_kernel(%arg0: memref<1024x256xf32, #tpu.memory_space<vmem>>, %arg1: memref<1x32xf32, #tpu.memory_space<vmem>>, %arg2: memref<1x1xf32, #tpu.memory_space<vmem>>, %arg3: memref<32x32xf32, #tpu.memory_space<vmem>>, %arg4: memref<1x32xf32, #tpu.memory_space<vmem>>, %arg5: memref<1024x32xf32, #tpu.memory_space<vmem>>) attributes {dimension_semantics = [], scalar_prefetch = 0 : i64, scratch_operands = 0 : i64, tpu.core_type = #tpu.core_type<tc>} {
    %get3A = arith.constant 0 : index
    %get3A_0 = arith.constant 0 : index
    %get3A_1 = vector.load %arg1[%get3A, %get3A_0] : memref<1x32xf32, #tpu.memory_space<vmem>>, vector<1x32xf32>
    %get3A_2 = arith.constant 0 : index
    %get3A_3 = arith.constant 0 : index
    %get3A_4 = vector.load %arg2[%get3A_2, %get3A_3] : memref<1x1xf32, #tpu.memory_space<vmem>>, vector<1x1xf32>
    %get3A_5 = vector.extract %get3A_4[0, 0] : f32 from vector<1x1xf32>
    %get3A_6 = arith.constant 0 : index
    %get3A_7 = arith.constant 0 : index
    %get3A_8 = vector.load %arg0[%get3A_6, %get3A_7] : memref<1024x256xf32, #tpu.memory_space<vmem>>, vector<1024x32xf32>
    %get3A_9 = arith.constant 0 : index
    %get3A_10 = arith.constant 32 : index
    %get3A_11 = vector.load %arg0[%get3A_9, %get3A_10] : memref<1024x256xf32, #tpu.memory_space<vmem>>, vector<1024x32xf32>
    %get3A_12 = arith.constant 0 : index
    %get3A_13 = arith.constant 64 : index
    %get3A_14 = vector.load %arg0[%get3A_12, %get3A_13] : memref<1024x256xf32, #tpu.memory_space<vmem>>, vector<1024x32xf32>
    %get3A_15 = arith.constant 0 : index
    %get3A_16 = arith.constant 96 : index
    %get3A_17 = vector.load %arg0[%get3A_15, %get3A_16] : memref<1024x256xf32, #tpu.memory_space<vmem>>, vector<1024x32xf32>
    %get3A_18 = arith.constant 0 : index
    %get3A_19 = arith.constant 128 : index
    %get3A_20 = vector.load %arg0[%get3A_18, %get3A_19] : memref<1024x256xf32, #tpu.memory_space<vmem>>, vector<1024x32xf32>
    %get3A_21 = arith.constant 0 : index
    %get3A_22 = arith.constant 160 : index
    %get3A_23 = vector.load %arg0[%get3A_21, %get3A_22] : memref<1024x256xf32, #tpu.memory_space<vmem>>, vector<1024x32xf32>
    %get3A_24 = arith.constant 0 : index
    %get3A_25 = arith.constant 192 : index
    %get3A_26 = vector.load %arg0[%get3A_24, %get3A_25] : memref<1024x256xf32, #tpu.memory_space<vmem>>, vector<1024x32xf32>
    %get3A_27 = arith.constant 0 : index
    %get3A_28 = arith.constant 224 : index
    %get3A_29 = vector.load %arg0[%get3A_27, %get3A_28] : memref<1024x256xf32, #tpu.memory_space<vmem>>, vector<1024x32xf32>
    %mul3A = vector.broadcast %get3A_1 : vector<1x32xf32> to vector<1024x32xf32>
    %mul3A_30 = arith.mulf %get3A_8, %mul3A : vector<1024x32xf32>
    %reduce_sum3A = arith.constant dense<0.000000e+00> : vector<1024xf32>
    %reduce_sum3A_31 = vector.multi_reduction <add>, %mul3A_30, %reduce_sum3A [1] : vector<1024x32xf32> to vector<1024xf32>
    %broadcast_in_dim3A = vector.shape_cast %reduce_sum3A_31 : vector<1024xf32> to vector<1024x1xf32>
    %add3A = vector.broadcast %get3A_5 : f32 to vector<1024x1xf32>
    %add3A_32 = arith.addf %broadcast_in_dim3A, %add3A : vector<1024x1xf32>
    %mul3A_33 = vector.broadcast %get3A_1 : vector<1x32xf32> to vector<1024x32xf32>
    %mul3A_34 = arith.mulf %get3A_11, %mul3A_33 : vector<1024x32xf32>
    %reduce_sum3A_35 = arith.constant dense<0.000000e+00> : vector<1024xf32>
    %reduce_sum3A_36 = vector.multi_reduction <add>, %mul3A_34, %reduce_sum3A_35 [1] : vector<1024x32xf32> to vector<1024xf32>
    %broadcast_in_dim3A_37 = vector.shape_cast %reduce_sum3A_36 : vector<1024xf32> to vector<1024x1xf32>
    %add3A_38 = vector.broadcast %get3A_5 : f32 to vector<1024x1xf32>
    %add3A_39 = arith.addf %broadcast_in_dim3A_37, %add3A_38 : vector<1024x1xf32>
    %mul3A_40 = vector.broadcast %get3A_1 : vector<1x32xf32> to vector<1024x32xf32>
    %mul3A_41 = arith.mulf %get3A_14, %mul3A_40 : vector<1024x32xf32>
    %reduce_sum3A_42 = arith.constant dense<0.000000e+00> : vector<1024xf32>
    %reduce_sum3A_43 = vector.multi_reduction <add>, %mul3A_41, %reduce_sum3A_42 [1] : vector<1024x32xf32> to vector<1024xf32>
    %broadcast_in_dim3A_44 = vector.shape_cast %reduce_sum3A_43 : vector<1024xf32> to vector<1024x1xf32>
    %add3A_45 = vector.broadcast %get3A_5 : f32 to vector<1024x1xf32>
    %add3A_46 = arith.addf %broadcast_in_dim3A_44, %add3A_45 : vector<1024x1xf32>
    %mul3A_47 = vector.broadcast %get3A_1 : vector<1x32xf32> to vector<1024x32xf32>
    %mul3A_48 = arith.mulf %get3A_17, %mul3A_47 : vector<1024x32xf32>
    %reduce_sum3A_49 = arith.constant dense<0.000000e+00> : vector<1024xf32>
    %reduce_sum3A_50 = vector.multi_reduction <add>, %mul3A_48, %reduce_sum3A_49 [1] : vector<1024x32xf32> to vector<1024xf32>
    %broadcast_in_dim3A_51 = vector.shape_cast %reduce_sum3A_50 : vector<1024xf32> to vector<1024x1xf32>
    %add3A_52 = vector.broadcast %get3A_5 : f32 to vector<1024x1xf32>
    %add3A_53 = arith.addf %broadcast_in_dim3A_51, %add3A_52 : vector<1024x1xf32>
    %mul3A_54 = vector.broadcast %get3A_1 : vector<1x32xf32> to vector<1024x32xf32>
    %mul3A_55 = arith.mulf %get3A_20, %mul3A_54 : vector<1024x32xf32>
    %reduce_sum3A_56 = arith.constant dense<0.000000e+00> : vector<1024xf32>
    %reduce_sum3A_57 = vector.multi_reduction <add>, %mul3A_55, %reduce_sum3A_56 [1] : vector<1024x32xf32> to vector<1024xf32>
    %broadcast_in_dim3A_58 = vector.shape_cast %reduce_sum3A_57 : vector<1024xf32> to vector<1024x1xf32>
    %add3A_59 = vector.broadcast %get3A_5 : f32 to vector<1024x1xf32>
    %add3A_60 = arith.addf %broadcast_in_dim3A_58, %add3A_59 : vector<1024x1xf32>
    %mul3A_61 = vector.broadcast %get3A_1 : vector<1x32xf32> to vector<1024x32xf32>
    %mul3A_62 = arith.mulf %get3A_23, %mul3A_61 : vector<1024x32xf32>
    %reduce_sum3A_63 = arith.constant dense<0.000000e+00> : vector<1024xf32>
    %reduce_sum3A_64 = vector.multi_reduction <add>, %mul3A_62, %reduce_sum3A_63 [1] : vector<1024x32xf32> to vector<1024xf32>
    %broadcast_in_dim3A_65 = vector.shape_cast %reduce_sum3A_64 : vector<1024xf32> to vector<1024x1xf32>
    %add3A_66 = vector.broadcast %get3A_5 : f32 to vector<1024x1xf32>
    %add3A_67 = arith.addf %broadcast_in_dim3A_65, %add3A_66 : vector<1024x1xf32>
    %mul3A_68 = vector.broadcast %get3A_1 : vector<1x32xf32> to vector<1024x32xf32>
    %mul3A_69 = arith.mulf %get3A_26, %mul3A_68 : vector<1024x32xf32>
    %reduce_sum3A_70 = arith.constant dense<0.000000e+00> : vector<1024xf32>
    %reduce_sum3A_71 = vector.multi_reduction <add>, %mul3A_69, %reduce_sum3A_70 [1] : vector<1024x32xf32> to vector<1024xf32>
    %broadcast_in_dim3A_72 = vector.shape_cast %reduce_sum3A_71 : vector<1024xf32> to vector<1024x1xf32>
    %add3A_73 = vector.broadcast %get3A_5 : f32 to vector<1024x1xf32>
    %add3A_74 = arith.addf %broadcast_in_dim3A_72, %add3A_73 : vector<1024x1xf32>
    %mul3A_75 = vector.broadcast %get3A_1 : vector<1x32xf32> to vector<1024x32xf32>
    %mul3A_76 = arith.mulf %get3A_29, %mul3A_75 : vector<1024x32xf32>
    %reduce_sum3A_77 = arith.constant dense<0.000000e+00> : vector<1024xf32>
    %reduce_sum3A_78 = vector.multi_reduction <add>, %mul3A_76, %reduce_sum3A_77 [1] : vector<1024x32xf32> to vector<1024xf32>
    %broadcast_in_dim3A_79 = vector.shape_cast %reduce_sum3A_78 : vector<1024xf32> to vector<1024x1xf32>
    %add3A_80 = vector.broadcast %get3A_5 : f32 to vector<1024x1xf32>
    %add3A_81 = arith.addf %broadcast_in_dim3A_79, %add3A_80 : vector<1024x1xf32>
    %max3A = arith.maximumf %add3A_32, %add3A_39 : vector<1024x1xf32>
    %max3A_82 = arith.maximumf %max3A, %add3A_46 : vector<1024x1xf32>
    %max3A_83 = arith.maximumf %max3A_82, %add3A_53 : vector<1024x1xf32>
    %max3A_84 = arith.maximumf %max3A_83, %add3A_60 : vector<1024x1xf32>
    %max3A_85 = arith.maximumf %max3A_84, %add3A_67 : vector<1024x1xf32>
    %max3A_86 = arith.maximumf %max3A_85, %add3A_74 : vector<1024x1xf32>
    %max3A_87 = arith.maximumf %max3A_86, %add3A_81 : vector<1024x1xf32>
    %sub3A = arith.subf %add3A_32, %max3A_87 : vector<1024x1xf32>
    %exp3A = math.exp %sub3A : vector<1024x1xf32>
    %sub3A_88 = arith.subf %add3A_39, %max3A_87 : vector<1024x1xf32>
    %exp3A_89 = math.exp %sub3A_88 : vector<1024x1xf32>
    %sub3A_90 = arith.subf %add3A_46, %max3A_87 : vector<1024x1xf32>
    %exp3A_91 = math.exp %sub3A_90 : vector<1024x1xf32>
    %sub3A_92 = arith.subf %add3A_53, %max3A_87 : vector<1024x1xf32>
    %exp3A_93 = math.exp %sub3A_92 : vector<1024x1xf32>
    %sub3A_94 = arith.subf %add3A_60, %max3A_87 : vector<1024x1xf32>
    %exp3A_95 = math.exp %sub3A_94 : vector<1024x1xf32>
    %sub3A_96 = arith.subf %add3A_67, %max3A_87 : vector<1024x1xf32>
    %exp3A_97 = math.exp %sub3A_96 : vector<1024x1xf32>
    %sub3A_98 = arith.subf %add3A_74, %max3A_87 : vector<1024x1xf32>
    %exp3A_99 = math.exp %sub3A_98 : vector<1024x1xf32>
    %sub3A_100 = arith.subf %add3A_81, %max3A_87 : vector<1024x1xf32>
    %exp3A_101 = math.exp %sub3A_100 : vector<1024x1xf32>
    %add3A_102 = arith.addf %exp3A, %exp3A_89 : vector<1024x1xf32>
    %add3A_103 = arith.addf %add3A_102, %exp3A_91 : vector<1024x1xf32>
    %add3A_104 = arith.addf %add3A_103, %exp3A_93 : vector<1024x1xf32>
    %add3A_105 = arith.addf %add3A_104, %exp3A_95 : vector<1024x1xf32>
    %add3A_106 = arith.addf %add3A_105, %exp3A_97 : vector<1024x1xf32>
    %add3A_107 = arith.addf %add3A_106, %exp3A_99 : vector<1024x1xf32>
    %add3A_108 = arith.addf %add3A_107, %exp3A_101 : vector<1024x1xf32>
    %mul3A_109 = vector.broadcast %exp3A : vector<1024x1xf32> to vector<1024x32xf32>
    %mul3A_110 = arith.mulf %mul3A_109, %get3A_8 : vector<1024x32xf32>
    %mul3A_111 = vector.broadcast %exp3A_89 : vector<1024x1xf32> to vector<1024x32xf32>
    %mul3A_112 = arith.mulf %mul3A_111, %get3A_11 : vector<1024x32xf32>
    %mul3A_113 = vector.broadcast %exp3A_91 : vector<1024x1xf32> to vector<1024x32xf32>
    %mul3A_114 = arith.mulf %mul3A_113, %get3A_14 : vector<1024x32xf32>
    %mul3A_115 = vector.broadcast %exp3A_93 : vector<1024x1xf32> to vector<1024x32xf32>
    %mul3A_116 = arith.mulf %mul3A_115, %get3A_17 : vector<1024x32xf32>
    %mul3A_117 = vector.broadcast %exp3A_95 : vector<1024x1xf32> to vector<1024x32xf32>
    %mul3A_118 = arith.mulf %mul3A_117, %get3A_20 : vector<1024x32xf32>
    %mul3A_119 = vector.broadcast %exp3A_97 : vector<1024x1xf32> to vector<1024x32xf32>
    %mul3A_120 = arith.mulf %mul3A_119, %get3A_23 : vector<1024x32xf32>
    %mul3A_121 = vector.broadcast %exp3A_99 : vector<1024x1xf32> to vector<1024x32xf32>
    %mul3A_122 = arith.mulf %mul3A_121, %get3A_26 : vector<1024x32xf32>
    %mul3A_123 = vector.broadcast %exp3A_101 : vector<1024x1xf32> to vector<1024x32xf32>
    %mul3A_124 = arith.mulf %mul3A_123, %get3A_29 : vector<1024x32xf32>
    %add3A_125 = arith.addf %mul3A_110, %mul3A_112 : vector<1024x32xf32>
    %add3A_126 = arith.addf %add3A_125, %mul3A_114 : vector<1024x32xf32>
    %add3A_127 = arith.addf %add3A_126, %mul3A_116 : vector<1024x32xf32>
    %add3A_128 = arith.addf %add3A_127, %mul3A_118 : vector<1024x32xf32>
    %add3A_129 = arith.addf %add3A_128, %mul3A_120 : vector<1024x32xf32>
    %add3A_130 = arith.addf %add3A_129, %mul3A_122 : vector<1024x32xf32>
    %add3A_131 = arith.addf %add3A_130, %mul3A_124 : vector<1024x32xf32>
    %div3A = vector.broadcast %add3A_108 : vector<1024x1xf32> to vector<1024x32xf32>
    %div3A_132 = arith.divf %add3A_131, %div3A : vector<1024x32xf32>
    %get3A_133 = arith.constant 0 : index
    %get3A_134 = arith.constant 0 : index
    %get3A_135 = vector.load %arg3[%get3A_133, %get3A_134] : memref<32x32xf32, #tpu.memory_space<vmem>>, vector<32x32xf32>
    %transpose3A = tpu.transpose %get3A_135, [1, 0] : vector<32x32xf32> -> vector<32x32xf32>
    %dot_general3A = arith.constant dense<0.000000e+00> : vector<1024x32xf32>
    %dot_general3A_136 = tpu.matmul %div3A_132, %transpose3A, %dot_general3A {dimension_numbers = #tpu.dot_dimension_numbers<[1], [0], [0], [1], [0, 0, 1, 1], [], []>, transpose_lhs_hint = false} : vector<1024x32xf32>, vector<32x32xf32>, vector<1024x32xf32> -> vector<1024x32xf32>
    %get3A_137 = arith.constant 0 : index
    %get3A_138 = arith.constant 0 : index
    %get3A_139 = vector.load %arg4[%get3A_137, %get3A_138] : memref<1x32xf32, #tpu.memory_space<vmem>>, vector<1x32xf32>
    %add3A_140 = vector.broadcast %get3A_139 : vector<1x32xf32> to vector<1024x32xf32>
    %add3A_141 = arith.addf %dot_general3A_136, %add3A_140 : vector<1024x32xf32>
    %swap3A = arith.constant 0 : index
    %swap3A_142 = arith.constant 0 : index
    %swap3A_143 = vector.load %arg5[%swap3A, %swap3A_142] : memref<1024x32xf32, #tpu.memory_space<vmem>>, vector<1024x32xf32>
    tpu.vector_store %arg5[%swap3A, %swap3A_142], %add3A_141 {strides = array<i32>} : memref<1024x32xf32, #tpu.memory_space<vmem>>, vector<1024x32xf32>,
    return
  }
}

</mosaic_0001>

<sc_bundles>
// kernel: kernel.5.cloned.1.call-start
scs
__scs_entry_jumppad:
0x0: {  	(pc) =	sbr.rel $0x88, $3  }
0x1: {  	(tag) =	ssettag $0x0;
	lr =	simm.s32 $0x1  }
0x2: {  	[smem:$0x3F97] =	sst lr;
	_ =	strace $0xD0000000  }
0x3: {  	_ = 	snop  }
0x4: {  	_ = 	snop  }
0x5: {  	_ = 	snop  }
0x6: {  	_ = 	snop  }
0x7: {  	_ = 	snop  }
__scs_overlays_trampoline_lowered:
0x8: {  	[smem:$0x3FA6] =	sst s0  }
0x9: {  	[smem:$0x3FA7] =	sst s1  }
0xa: {  	[smem:$0x3FA8] =	sst s2  }
0xb: {  	[smem:$0x3FA9] =	sst s3  }
0xc: {  	[smem:$0x3FAA] =	sst s4  }
0xd: {  	[smem:$0x3FAB] =	sst s5  }
0xe: {  	[smem:$0x3FAC] =	sst s6  }
0xf: {  	[smem:$0x3FAD] =	sst s7  }
0x10: {  	[smem:$0x3FAE] =	sst s8  }
0x11: {  	[smem:$0x3FAF] =	sst s9;
	s0 =	simm.s32 @!p0 $0x0  }
0x12: {  	s1 =	sld [smem:$0x3F95];
	s0 =	simm.s32 @p0 $0x1  }
0x13: {  	[smem:$0x3FB0] =	sst s0;
	s0 =	simm.s32 @!p1 $0x0  }
0x14: {  	s2 =	sld [smem:$0x3F94];
	s0 =	simm.s32 @p1 $0x1  }
0x15: {  	[smem:$0x3FB1] =	sst s0;
	s0 =	simm.s32 @!p2 $0x0  }
0x16: {  	s3 =	sld [smem:$0x3FDB];
	s0 =	simm.s32 @p2 $0x1  }
0x17: {  	s4 =	simm.s32 $0x1BF5;
	[smem:$0x3FB3] =	sst s0  }
0x18: {  	s0 =	sld [smem:$0x3F96];
	_ =	swait.ge [sflag:s4], $0x0  }
0x19: {  	s7 =	sld [smem:$0x3F97]  }
0x1a: {  	s8 =	sadd.s32 $0xFFFFE003, lr  }
0x1b: {  	s9 =	sadd.s32 $0xFFFFFEF7, lr;
	s5 =	simm.s32 $0xFFFFFFFF;
	p2 =	slt.u32 s8, $0xFFFFF086  }
0x1c: {  	p1 =	slt.u32 s9, $0xF7A;
	s5 =	simm.s32 @!p2 $0x0  }
0x1d: {  	s5 =	simm.s32 @p1 $0x1;
	p0 =	seq.s32 s7, s2  }
0x1e: {  	s7 =	smul.u32 @!p0 $0xF7A, s2;
	p2 =	seq.s32 @!p0 s5, $0x0  }
0x1f: {  	s9 =	smul.u32 $0xF7A, s1;
	s8 =	simm.s32 @!p0 $0x1BF5;
	p2 =	por !p2, p0  }
0x20: {  	[sflag:s8] =	ssyncset.s32 @!p0 $0xFFFFF086;
	s6 =	sadd.s32 @!p0 s3, s7;
	s7 =	simm.s32 @!p0 $0x108  }
0x21: {  	s3 =	sadd.s32 s3, s9;
	s6 =	sadd.s32 @!p0 $0x88, s6;
	s7 =	simm.s32 @p2 $0x1082  }
0x22: {  	[simem:s7], [sflag:s8] =	dma.local @!p0 [hbm:s6], $0xF7A  }
0x23: {  	s9 =	sor.u32 $0xD0000000, s2;
	s6 =	simm.s32 $0x108;
	_ =	swait.ge @!p0 [sflag:s8], $0x0  }
0x24: {  	s3 =	sadd.s32 $0x88, s3;
	s6 =	simm.s32 @!p1 $0x1082;
	[sflag:s4] =	ssyncset.s32 $0xFFFFF086  }
0x25: {  	[simem:s6], [sflag:s4] =	dma.local [hbm:s3], $0xF7A  }
0x26: {  	[smem:$0x3F97] =	sst s1;
	(tag) =	ssettag s2;
	_ =	strace s9  }
0x27: {  	s1 =	sld [smem:$0x3FA7]  }
0x28: {  	s2 =	sld [smem:$0x3FA8]  }
0x29: {  	s4 =	sld [smem:$0x3FAA]  }
0x2a: {  	p0 =	seq.s32 s5, $0x0;
	s5 =	sld [smem:$0x3FAB]  }
0x2b: {  	s6 =	sld [smem:$0x3FAC]  }
0x2c: {  	s7 =	sld [smem:$0x3FAD]  }
0x2d: {  	s3 =	simm.s32 $0x108;
	s8 =	sld [smem:$0x3FAE]  }
0x2e: {  	s3 =	simm.s32 @!p0 $0x1082;
	s9 =	sld [smem:$0x3FAF]  }
0x2f: {  	lr =	sadd.s32 s0, s3;
	s0 =	sld [smem:$0x3FA6]  }
0x30: {  	s3 =	sld [smem:$0x3FA9]  }
0x31: {  	[smem:$0x3FB2] =	sst s10  }
0x32: {  	s10 =	sld [smem:$0x3FB0];
	_ =	sdelay $0x3  }
0x33: {  	p0 =	seq.s32 s10, $0x1;
	s10 =	sld [smem:$0x3FB2];
	_ =	sdelay $0x3  }
0x34: {  	[smem:$0x3FB2] =	sst s10  }
0x35: {  	s10 =	sld [smem:$0x3FB1];
	_ =	sdelay $0x3  }
0x36: {  	p1 =	seq.s32 s10, $0x1;
	s10 =	sld [smem:$0x3FB2];
	_ =	sdelay $0x3  }
0x37: {  	[smem:$0x3FB2] =	sst s10  }
0x38: {  	s10 =	sld [smem:$0x3FB3]  }
0x39: {  	_ = 	snop;
	(pc) =	sbr.ind lr, $3  }
0x3a: {  	_ = 	snop  }
0x3b: {  	_ = 	snop  }
0x3c: {  	p2 =	seq.s32 s10, $0x1;
	s10 =	sld [smem:$0x3FB2]  }
0x3d: {  	_ =	shalt  }
0x3e: {  	_ =	shalt  }
0x3f: {  	_ =	shalt  }
0x40: {  	_ =	shalt  }
0x41: {  	_ =	shalt  }
0x42: {  	_ =	shalt  }
0x43: {  	_ =	shalt  }
0x44: {  	_ =	shalt  }
0x45: {  	_ =	shalt  }
0x46: {  	_ =	shalt  }
0x47: {  	_ =	shalt  }
0x48: {  	_ =	shalt  }
0x49: {  	_ =	shalt  }
0x4a: {  	_ =	shalt  }
0x4b: {  	_ =	shalt  }
0x4c: {  	_ =	shalt  }
0x4d: {  	_ =	shalt  }
0x4e: {  	_ =	shalt  }
0x4f: {  	_ =	shalt  }
0x50: {  	_ =	shalt  }
0x51: {  	_ =	shalt  }
0x52: {  	_ =	shalt  }
0x53: {  	_ =	shalt  }
0x54: {  	_ =	shalt  }
0x55: {  	_ =	shalt  }
0x56: {  	_ =	shalt  }
0x57: {  	_ =	shalt  }
0x58: {  	_ =	shalt  }
0x59: {  	_ =	shalt  }
0x5a: {  	_ =	shalt  }
0x5b: {  	_ =	shalt  }
0x5c: {  	_ =	shalt  }
0x5d: {  	_ =	shalt  }
0x5e: {  	_ =	shalt  }
0x5f: {  	_ =	shalt  }
0x60: {  	_ =	shalt  }
0x61: {  	_ =	shalt  }
0x62: {  	_ =	shalt  }
0x63: {  	_ =	shalt  }
0x64: {  	_ =	shalt  }
0x65: {  	_ =	shalt  }
0x66: {  	_ =	shalt  }
0x67: {  	_ =	shalt  }
0x68: {  	_ =	shalt  }
0x69: {  	_ =	shalt  }
0x6a: {  	_ =	shalt  }
0x6b: {  	_ =	shalt  }
0x6c: {  	_ =	shalt  }
0x6d: {  	_ =	shalt  }
0x6e: {  	_ =	shalt  }
0x6f: {  	_ =	shalt  }
0x70: {  	_ =	shalt  }
0x71: {  	_ =	shalt  }
0x72: {  	_ =	shalt  }
0x73: {  	_ =	shalt  }
0x74: {  	_ =	shalt  }
0x75: {  	_ =	shalt  }
0x76: {  	_ =	shalt  }
0x77: {  	_ =	shalt  }
0x78: {  	_ =	shalt  }
0x79: {  	_ =	shalt  }
0x7a: {  	_ =	shalt  }
0x7b: {  	_ =	shalt  }
0x7c: {  	_ =	shalt  }
0x7d: {  	_ =	shalt  }
0x7e: {  	_ =	shalt  }
0x7f: {  	_ =	shalt  }
0x80: {  	_ =	shalt  }
0x81: {  	_ =	shalt  }
0x82: {  	_ =	shalt  }
0x83: {  	_ =	shalt  }
0x84: {  	_ =	shalt  }
0x85: {  	_ =	shalt  }
0x86: {  	_ =	shalt  }
0x87: {  	_ =	shalt  }
.Lfunc_end0:
.L_simem_size_0:
called_computation_lowered:
.L_overlay_start_0:
0x88: {  	s2 =	sld [smem:$0x3FD9]  }
0x89: {  	s3 =	sld [smem:$0x3FFE];
	_ =	sdelay $0x1  }
0x8a: {  	s1 =	srdreg.scid  }
0x8b: {  	s0 =	sand.u32 $0x1, s1  }
0x8c: {  	s17 =	sshll.u32 s0, $0xA;
	s2 =	sadd.s32 s3, s2  }
0x8d: {  	s2 =	sadd.s32 s2, s17  }
0x8e: {  	[smem:$0x3FBE] =	sst s2  }
0x8f: {  	_ = 	snop  }
0x90: {  	s2 =	sld [smem:$0x3FD0];
	(tm) =	ssettm $0x1  }
0x91: {  	s18 =	sld [smem:$0x3FFB];
	_ =	sdelay $0x3  }
0x92: {  	_ =	strace s18  }
0x93: {  	s3 =	sld [smem:$0x3FFC];
	_ =	sdelay $0x3  }
0x94: {  	_ =	strace s3  }
0x95: {  	s3 =	sld [smem:$0x3FFD];
	_ =	sdelay $0x3  }
0x96: {  	_ =	strace s3  }
0x97: {  	_ =	strace $0x8FFFFFFF  }
0x98: {  	s19 =	sld [smem:$0x3FDB];
	_ =	sdelay $0x1  }
0x99: {  	s4 =	simm.s32 $_scs_section_size  }
0x9a: {  	s5 =	simm.s32 $_size__tile_overlayer_lowered;
	s6 =	simm.s32 $_tile_overlayer_lowered  }
0x9b: {  	s22 =	simm.s32 $0x1BFF;
	s21 =	sshll.u32 s6, $0x1;
	s3 =	sadd.s32 s4, s19  }
0x9c: {  	s7 =	simm.s32 $0x0;
	s20 =	sshll.u32 s5, $0x1;
	s5 =	sadd.s32 s21, s3  }
0x9d: {  	[timem:s7], [sflag:s22] =	dma.local [hbm:s5], s20  }
0x9e: {  	_ =	swait.ge [sflag:s22], s20  }
0x9f: {  	s4 =	ssub.s32 $0x0, s20;
	[sflag:s22] =	ssyncset.done $0x0  }
0xa0: {  	[sflag:s22] =	ssyncadd.s32 s4;
	_ =	sdelay $0x1  }
0xa1: {  	s23 =	simm.s32 $0x1B8B  }
0xa2: {  	_ =	swait.ge [sflag:s23], $0x1  }
0xa3: {  	[sflag:s23] =	ssyncset.done $0x0  }
0xa4: {  	s25 =	simm.s32 $0x1B8E;
	s24 =	sld [smem:$0x3FFE];
	[sflag:s23] =	ssyncadd.s32 $0xFFFFFFFF  }
0xa5: {  	s26 =	simm.s32 $execute0_lowered;
	[smem:$0x3FD2] =	sst s25  }
0xa6: {  	s5 =	sshll.u32 s26, $0x1;
	_ =	strace $0x80000046;
	[dreg:$0x1] =	wrdreg $0xFFFFFFFF  }
0xa7: {  	s28 =	simm.s32 $_size_execute0_lowered;
	s3 =	sadd.s32 s3, s5;
	[dreg:$0x0] =	wrdreg $0x0  }
0xa8: {  	s5 =	sshll.u32 s28, $0x1;
	[dreg:$0x2] =	wrdreg s3  }
0xa9: {  	[dreg:$0x3] =	wrdreg s5  }
0xaa: {  	[dreg:$0x4] =	wrdreg $0xC0  }
0xab: {  	_ =	task [dreg:s7], $0x5FFFF  }
0xac: {  	[dreg:$0x1] =	wrdreg $0xFFFFFFFF  }
0xad: {  	[dreg:$0x0] =	wrdreg $0x60  }
0xae: {  	[dreg:$0x2] =	wrdreg s24  }
0xaf: {  	[dreg:$0x3] =	wrdreg s2  }
0xb0: {  	[dreg:$0x4] =	wrdreg $0x9  }
0xb1: {  	_ =	task.clear_ibuf [dreg:s7], $0x5FFFF;
	_ =	strace $0x90000046  }
0xb2: {  	s29 =	simm.s32 $0x9;
	_ =	strace $0x80000048  }
0xb3: {  	_ =	swait.ge [sflag:s29], $0x1  }
0xb4: {  	[sflag:s29] =	ssyncadd.s32 $0xFFFFFFFF  }
0xb5: {  	_ =	strace $0x90000048  }
0xb6: {  	_ =	sfence  }
0xb7: {  	s30 =	sld [smem:$0x0];
	_ =	sdelay $0x2  }
0xb8: {  	s31 =	sshll.u32 s1, $0xD;
	s1 =	sshrl.u32 s1, $0x2  }
0xb9: {  	s3 =	sand.u32 $0x4000, s31;
	s1 =	sadd.s32 s1, s30  }
0xba: {  	s0 =	sor.u32 s3, s0;
	s1 =	sshll.u32 s1, $0x11  }
0xbb: {  	s0 =	sor.u32 s1, s0  }
0xbc: {  	s0 =	sadd.s32 $0x8F2B, s0  }
0xbd: {  	[sflag:s0] =	ssyncadd.remote.s32 $0x1  }
0xbe: {  	_ =	sfence.sel $0xFFFF  }
0xbf: {  	[dreg:$0x0] =	wrdreg $0xFFFFFFFF;
	(pc) =	sbr.abs _section_cstart, $3  }
0xc0: {  	[dreg:$0x1] =	wrdreg $0xFFFFFFFF  }
0xc1: {  	_ =	task.clear_ibuf [dreg:s7], $0x2FFFF;
	_ =	strace $0x9FFFFFFF  }
0xc2: {  	(tm) =	ssettm $0x7FFFFFFF  }
0xc3: {  	_ =	shalt  }
tec
execute0_lowered:
.L_overlay_start_1:
0x0: {  	(tag) =	ssettag $0x1  }
0x1: {  	s1 =	srdreg.scid  }
0x2: {  	s8 =	rddreg [dreg:$0x0];
	s0 =	stileid.u32  }
0x3: {  	s3 =	rddreg [dreg:$0x1];
	s2 =	simm.s32 $0x0;
	s6 =	sand.u32 $0x1, s1  }
0x4: {  	s4 =	sshll.u32 s0, $0x9;
	s1 =	rddreg [dreg:$0x2];
	s5 =	sshll.u32 s6, $0x8  }
0x5: {  	s7 =	simm.s32 $0x1;
	[smem:$0x7FF] =	sst s2;
	s9 =	sor.u32 s5, s4  }
0x6: {  	_ =	strace $0x80000047;
	s10 =	ssub.s32 $0x2, s6;
	s4 =	sshrl.u32 s9, $0x3  }
0x7: {  	s6 =	simm.s32 $0x100;
	s4 =	sadd.s32 s3, s4;
	s3 =	simm.s32 $0x2  }
0x8: {  	[tilespmem:s2], [sflag:$0x2] =	stream.linear.gather [hbm4b:s4+s2], $0x100, $0x38;
	[tilespmem:$0x2100] =	vst v63  }
0x9: {  	s5 =	sadd.s32 $0x188A00, s8;
	s11 =	sshrl.u32 s10, $0x1;
	_ =	swait.ge [sflag:s3], $0x100  }
0xa: {  	s9 =	sshll.u32 s9, $0x2;
	s31 =	ssub.s32 s10, s11;
	[sflag:s3] =	ssyncset.done $0x0  }
0xb: {  	s8 =	sadd.s32 s9, s8;
	s9 =	smax.u32 s31, $0x1;
	[sflag:s3] =	ssyncadd.s32 $0xFFFFFF00  }
0xc: {  	[tilespmem:s6], [sflag:$0x1] =	stream.indirect.gather [hbm4b:s5+s6], $0x20, s2, s6, $0xb8;
	[tilespmem:$0x2100] =	vst v63  }
0xd: {  	p0 =	sne.s32 s9, $0x1;
	_ =	swait.ge [sflag:s7], $0x2000  }
.Ltmp0:
0xe: {  	[sflag:s7] =	ssyncset.done $0x0;
	(pc) =	sbr.rel @!p0 .LBB2_2-.Ltmp0, $4  }
0xf: {  	s8 =	sadd.s32 $0x2000, s8;
	[sflag:s7] =	ssyncadd.s32 $0xFFFFE000  }
0x10: {  	[hbm4b:s8+s2] =	stream.linear.scatter [tilespmem:s6], [sflag:$0x2], $0x2000, $0x38;
	[tilespmem:$0x2100] =	vst v63  }
0x11: {  	_ =	swait.ge [sflag:s3], $0x2000  }
0x12: {  	s9 =	sadd.s32 $0xFFFFFFFF, s9;
	[sflag:s3] =	ssyncset.done $0x0  }
.LBB2_1:
0x13: {  	p0 =	sne.s32 s9, $0x1;
	s9 =	sadd.s32 $0xFFFFFFFF, s9;
	[sflag:s3] =	ssyncadd.s32 $0xFFFFE000  }
0x14: {  	[tilespmem:s2], [sflag:$0x2] =	stream.linear.gather [hbm4b:s4+s2], $0x100, $0x38;
	[tilespmem:$0x2100] =	vst v63  }
0x15: {  	_ =	swait.ge [sflag:s3], $0x100  }
0x16: {  	[sflag:s3] =	ssyncset.done $0x0  }
0x17: {  	[sflag:s3] =	ssyncadd.s32 $0xFFFFFF00  }
0x18: {  	[tilespmem:s6], [sflag:$0x1] =	stream.indirect.gather [hbm4b:s5+s6], $0x20, s2, s6, $0xb8;
	[tilespmem:$0x2100] =	vst v63  }
0x19: {  	_ =	swait.ge [sflag:s7], $0x2000  }
.Ltmp1:
0x1a: {  	[sflag:s7] =	ssyncset.done $0x0;
	(pc) =	sbr.rel @p0 .LBB2_1-.Ltmp1, $4  }
0x1b: {  	[sflag:s7] =	ssyncadd.s32 $0xFFFFE000  }
0x1c: {  	[hbm4b:s8+s2] =	stream.linear.scatter [tilespmem:s6], [sflag:$0x2], $0x2000, $0x38;
	[tilespmem:$0x2100] =	vst v63  }
0x1d: {  	_ =	swait.ge [sflag:s3], $0x2000  }
0x1e: {  	[sflag:s3] =	ssyncset.done $0x0  }
.LBB2_2:
0x1f: {  	[sflag:s3] =	ssyncadd.s32 $0xFFFFE000  }
0x20: {  	_ =	sfence.sel $0x180000  }
0x21: {  	[bflag:$0x0] =	sbarrier.arrive $0xFFFF  }
0x22: {  	p0 =	sne.s32 s0, $0x0;
	_ =	strace $0x90000047  }
0x23: {  	s0 =	sadd.s32 @!p0 $0x100000, s1;
	[bflag:$0x2] =	sbarrier.arrive $0xFFFF  }
0x24: {  	[sflag:s0] =	ssyncadd.tile.s32 @!p0 $0x1;
	_ =	shalt  }
.Lfunc_end2:
_tile_overlayer_lowered:
.L_overlay_start_2:
0x25: {  	(tag) =	ssettag $0x2  }
0x26: {  	s0 =	rddreg [dreg:$0x0];
	s2 =	stileid.u32  }
0x27: {  	s1 =	rddreg [dreg:$0x1];
	p0 =	sne.s32 s2, $0x0  }
0x28: {  	s3 =	rddreg [dreg:$0x2];
	[bflag:$0x3] =	sbarrier.arrive $0xFFFF;
	s2 =	simm.s32 @!p0 $0x1C02  }
0x29: {  	[timem:s3], [sflag:s2] =	dma.local @!p0 [hbm:s0], s1  }
0x2a: {  	s0 =	simm.s32 @!p0 $0x2  }
0x2b: {  	_ =	swait.ge @!p0 [sflag:s0], s1  }
0x2c: {  	s1 =	ssub.s32 @!p0 $0x0, s1;
	[sflag:s0] =	ssyncset.done @!p0 $0x0  }
0x2d: {  	[sflag:s0] =	ssyncadd.s32 @!p0 s1  }
0x2e: {  	[bflag:$0x3] =	sbarrier.arrive $0xFFFF  }
0x2f: {  	_ =	shalt  }

</sc_bundles>
